<compile_context>
chip_gen: v7x
topology: tpu7x:2x2x1
jax: 0.10.2.dev20260603
libtpu: 0.0.44.dev20260713+nightly
codegen_flags: <defaults>
</compile_context>

<pallas_src>
import functools

import jax
import jax.numpy as jnp
from jax import lax
from jax.experimental import pallas as pl
from jax.experimental.pallas import tpu as pltpu
from jax.experimental.pallas import tpu_sc as plsc

VOCAB = 1000
NGRAM = 4
DIM = 32
BATCH = 1024
EPS = 1e-23

VPAD = 1024
BBLK = 1024
NCTX = BATCH * NGRAM

ROWW = 128
DPS = 16
NSTEP = DIM // DPS


def _softplus(x):
    return jnp.log(1.0 + jnp.exp(x))


def _sp_from_w(w):
    return jnp.where(w <= 6.7379470e-3, w, jnp.log(1.0 + w))


def _make_sc_gather():
    info = plsc.get_sparse_core_info()
    nw = info.num_cores * info.num_subcores
    ctx_per_w = NCTX // nw
    voc_per_w = VPAD // nw

    mesh = plsc.VectorSubcoreMesh(core_axis_name="c", subcore_axis_name="s")

    @functools.partial(
        pl.kernel,
        out_type=[
            jax.ShapeDtypeStruct((NCTX, ROWW), jnp.float32),
            jax.ShapeDtypeStruct((VPAD, ROWW), jnp.float32),
        ],
        mesh=mesh,
        scratch_types=[
            pltpu.VMEM((ctx_per_w,), jnp.int32),
            pltpu.VMEM((voc_per_w,), jnp.int32),
            pltpu.VMEM((ctx_per_w, ROWW), jnp.float32),
            pltpu.VMEM((voc_per_w, ROWW), jnp.float32),
            pltpu.SemaphoreType.DMA,
        ],
    )
    def gather_k(table_hbm, xidx_hbm, vidx_hbm, ctx_hbm, wbv_hbm,
                 xi_v, vi_v, ctx_v, wbv_v, sem):
        wid = lax.axis_index("s") * info.num_cores + lax.axis_index("c")
        cbase = wid * ctx_per_w
        vbase = wid * voc_per_w
        pltpu.sync_copy(xidx_hbm.at[pl.ds(cbase, ctx_per_w)], xi_v)
        pltpu.sync_copy(vidx_hbm.at[pl.ds(vbase, voc_per_w)], vi_v)
        c1 = pltpu.async_copy(table_hbm.at[xi_v], ctx_v, sem)
        c2 = pltpu.async_copy(table_hbm.at[vi_v], wbv_v, sem)
        c1.wait()
        c2.wait()
        pltpu.sync_copy(ctx_v, ctx_hbm.at[pl.ds(cbase, ctx_per_w)])
        pltpu.sync_copy(wbv_v, wbv_hbm.at[pl.ds(vbase, voc_per_w)])

    return gather_k


@functools.cache
def _sc_gather_fn():
    return _make_sc_gather()


def _score_body(ctx_ref, wbv_ref, pmw_ref, pmb_ref, pdw_ref, pdb_ref,
                bias_ref, out_ref, E1t_s, Ei1t_s, E2_s, Ei2_s):
    i = pl.program_id(0)

    @pl.when(i == 0)
    def _prep():
        wbt = wbv_ref[:, 0:2 * DIM].T
        z1 = wbt[0:DIM, :]
        Z1 = z1 + _softplus(wbt[DIM:2 * DIM, :])
        E1t_s[...] = jnp.exp(Z1).reshape(DIM, 1, VPAD)
        Ei1t_s[...] = jnp.exp(-z1).reshape(DIM, 1, VPAD)
        zacc = None
        dacc = None
        for g in range(NGRAM):
            cm = ctx_ref[:, g, 0:DIM]
            cd = ctx_ref[:, g, DIM:2 * DIM]
            mn = cm * pmw_ref[g:g + 1, :] + pmb_ref[g:g + 1, :]
            dl = _softplus(cd * pdw_ref[g:g + 1, :] + pdb_ref[g:g + 1, :])
            zacc = mn if zacc is None else zacc + mn
            dacc = dl if dacc is None else dacc + dl
        z2 = zacc * (1.0 / NGRAM)
        d2 = dacc * (1.0 / NGRAM)
        E2_s[...] = jnp.exp(z2 + _softplus(d2))
        Ei2_s[...] = jnp.exp(-z2)

    E2blk = E2_s[...]
    Ei2blk = Ei2_s[...]
    lane = lax.broadcasted_iota(jnp.int32, (BBLK, DIM), 1)

    sps = []
    for k in range(DPS):
        d = i * DPS + k
        E1r = E1t_s[d]
        Ei1r = Ei1t_s[d]
        sel = lane == d
        E2c = jnp.sum(jnp.where(sel, E2blk, 0.0), axis=1, keepdims=True)
        Ei2c = jnp.sum(jnp.where(sel, Ei2blk, 0.0), axis=1, keepdims=True)
        w = jnp.minimum(E1r, E2c) * jnp.minimum(Ei1r, Ei2c)
        sps.append(_sp_from_w(w))

    acc = None
    for k in range(0, DPS, 2):
        pair = jnp.log(jnp.maximum(sps[k] * sps[k + 1], 1.2e-38))
        acc = pair if acc is None else acc + pair

    @pl.when(i == 0)
    def _():
        out_ref[...] = acc

    @pl.when(i != 0)
    def _():
        out_ref[...] += acc

    @pl.when(i == NSTEP - 1)
    def _():
        dec = out_ref[...] + bias_ref[...]
        vlane = lax.broadcasted_iota(jnp.int32, (BBLK, VPAD), 1)
        dec = jnp.where(vlane < VOCAB, dec, -1e30)
        m = jnp.max(dec, axis=1, keepdims=True)
        lse = jnp.log(jnp.sum(jnp.exp(dec - m), axis=1, keepdims=True)) + m
        out_ref[...] = dec - lse


def kernel(x, word_boxes, embedding_bias, pos_delta_w, pos_delta_b,
           pos_min_w, pos_min_b):
    table = word_boxes.reshape(VOCAB * NGRAM, 2 * DIM).astype(jnp.float32)
    table = jnp.pad(table, ((0, 0), (0, ROWW - 2 * DIM)))

    xflat = x.reshape(-1).astype(jnp.int32)
    vidx = jnp.pad(jnp.arange(VOCAB, dtype=jnp.int32) * NGRAM,
                   (0, VPAD - VOCAB))

    ctx_rows, wbv_rows = _sc_gather_fn()(table, xflat, vidx)
    ctx4 = ctx_rows.reshape(BATCH, NGRAM, ROWW)

    bias_row = jnp.pad(embedding_bias.reshape(1, VOCAB),
                       ((0, 0), (0, VPAD - VOCAB)))

    out = pl.pallas_call(
        _score_body,
        grid=(NSTEP,),
        in_specs=[
            pl.BlockSpec((BATCH, NGRAM, ROWW), lambda d: (0, 0, 0)),
            pl.BlockSpec((VPAD, ROWW), lambda d: (0, 0)),
            pl.BlockSpec((NGRAM, DIM), lambda d: (0, 0)),
            pl.BlockSpec((NGRAM, DIM), lambda d: (0, 0)),
            pl.BlockSpec((NGRAM, DIM), lambda d: (0, 0)),
            pl.BlockSpec((NGRAM, DIM), lambda d: (0, 0)),
            pl.BlockSpec((1, VPAD), lambda d: (0, 0)),
        ],
        out_specs=pl.BlockSpec((BBLK, VPAD), lambda d: (0, 0)),
        out_shape=jax.ShapeDtypeStruct((BATCH, VPAD), jnp.float32),
        scratch_shapes=[
            pltpu.VMEM((DIM, 1, VPAD), jnp.float32),
            pltpu.VMEM((DIM, 1, VPAD), jnp.float32),
            pltpu.VMEM((BATCH, DIM), jnp.float32),
            pltpu.VMEM((BATCH, DIM), jnp.float32),
        ],
        compiler_params=pltpu.CompilerParams(
            dimension_semantics=("arbitrary",)),
    )(ctx4, wbv_rows, pos_min_w, pos_min_b, pos_delta_w, pos_delta_b,
      bias_row)

    return out[:, :VOCAB]

# --- scband reference (transcript-rebuilt; emitter-appended) ---
"""Pipeline reference for scband-box-affine-transform-7816840478934 (READ-ONLY COPY).

The authoritative reference and input builder live on the scoring server;
editing this copy changes nothing except your own understanding.
"""

import jax, jax.numpy as jnp
import numpy as np

VOCAB = 1000
NGRAM = 4
DIM = 32
BATCH = 1024
EPS = 1e-23


def setup_inputs(seed: int = 0) -> dict:
    key = jax.random.key(seed)
    ks = jax.random.split(key, 7)
    x = jax.random.randint(ks[0], (BATCH, NGRAM), 0, VOCAB * NGRAM)
    word_boxes = jax.random.normal(ks[1], (VOCAB * NGRAM, 2, DIM), dtype=jnp.float32) * 0.1
    embedding_bias = jnp.zeros((VOCAB, 1), dtype=jnp.float32)
    pos_delta_w = jax.random.normal(ks[2], (NGRAM, DIM), dtype=jnp.float32)
    pos_delta_b = jax.random.normal(ks[3], (NGRAM, DIM), dtype=jnp.float32)
    pos_min_w = jax.random.normal(ks[4], (NGRAM, DIM), dtype=jnp.float32)
    pos_min_b = jax.random.normal(ks[5], (NGRAM, DIM), dtype=jnp.float32)
    return {"x": x, "word_boxes": word_boxes, "embedding_bias": embedding_bias,
            "pos_delta_w": pos_delta_w, "pos_delta_b": pos_delta_b,
            "pos_min_w": pos_min_w, "pos_min_b": pos_min_b}


def _forward(x, word_boxes, embedding_bias, pos_delta_w, pos_delta_b, pos_min_w, pos_min_b):
    # BoxEmbedding lookup: data shaped [B, NGRAM, 2, DIM] (row 0 = min, row 1 = delta)
    ctx = jnp.take(word_boxes, x, axis=0)
    # position_transformation over all n-gram positions
    mn = ctx[:, :, 0, :] * pos_min_w[None, :, :] + pos_min_b[None, :, :]
    dl = jax.nn.softplus(ctx[:, :, 1, :] * pos_delta_w[None, :, :] + pos_delta_b[None, :, :])
    data = jnp.stack([mn, dl], axis=2)  # [B, NGRAM, 2, DIM]
    # mean over gram positions, reshape to [B, 1, 2, DIM] (aliased back onto context boxes)
    data = jnp.mean(data, axis=1).reshape(-1, 1, 2, DIM)
    # all-vocab boxes: gather rows vocab_idx * n_gram
    all_idx = jnp.arange(VOCAB) * NGRAM
    aw = jnp.take(word_boxes, all_idx, axis=0).reshape(1, VOCAB, 2, DIM)
    # DeltaBoxTensor semantics: z = data[...,0,:], Z = z + softplus(data[...,1,:])
    z1 = aw[..., 0, :]
    Z1 = z1 + jax.nn.softplus(aw[..., 1, :])
    z2 = data[..., 0, :]
    Z2 = z2 + jax.nn.softplus(data[..., 1, :])
    # hard intersection + log soft volume
    z = jnp.maximum(z1, z2)
    Z = jnp.minimum(Z1, Z2)
    dec = jnp.sum(jnp.log(jax.nn.softplus(Z - z) + EPS), axis=-1)  # [B, VOCAB]
    decoded = dec + embedding_bias.reshape(-1)[None, :]
    return jax.nn.log_softmax(decoded, axis=1)


def reference(x, word_boxes, embedding_bias, pos_delta_w, pos_delta_b, pos_min_w, pos_min_b):
    return _forward(x, word_boxes, embedding_bias, pos_delta_w, pos_delta_b, pos_min_w, pos_min_b)

if __name__ == "__main__":
    import jax
    _d = setup_inputs()
    print(jax.jit(kernel)(*tuple(_d.values())))

</pallas_src>

<mosaic_0001>
#map = affine_map<(d0, d1) -> (0, 0)>
#map1 = affine_map<(d0, d1) -> (0)>
module attributes {stable_mosaic.version = 14 : i64} {
  func.func @gather_k(%arg0: i32, %arg1: i32, %arg2: memref<4000x128xf32, #tpu.memory_space<hbm>>, %arg3: memref<4096xi32, #tpu.memory_space<hbm>>, %arg4: memref<1024xi32, #tpu.memory_space<hbm>>, %arg5: memref<4096x128xf32, #tpu.memory_space<hbm>>, %arg6: memref<1024x128xf32, #tpu.memory_space<hbm>>, %arg7: memref<128xi32, #tpu.memory_space<vmem>>, %arg8: memref<32xi32, #tpu.memory_space<vmem>>, %arg9: memref<128x128xf32, #tpu.memory_space<vmem>>, %arg10: memref<32x128xf32, #tpu.memory_space<vmem>>, %arg11: memref<!tpu.dma_semaphore, #tpu.memory_space<semaphore_mem>>) attributes {dimension_semantics = [#tpu.dimension_semantics<core_parallel>, #tpu.dimension_semantics<subcore_parallel>], iteration_bounds = array<i64: 2, 16>, scalar_prefetch = 0 : i64, scratch_operands = 5 : i64, tpu.core_type = #tpu.core_type<sc_vector_subcore>, window_params = [{transform_indices = #map}, {transform_indices = #map1}, {transform_indices = #map1}, {transform_indices = #map}, {transform_indices = #map}]} {
    %mul3A = arith.constant 2 : i32
    %mul3A_0 = arith.muli %arg1, %mul3A : i32
    %add3A = arith.addi %mul3A_0, %arg0 : i32
    %mul3A_1 = arith.constant 128 : i32
    %mul3A_2 = arith.muli %add3A, %mul3A_1 : i32
    %mul3A_3 = arith.constant 32 : i32
    %mul3A_4 = arith.muli %add3A, %mul3A_3 : i32
    "tpu.region"() ({
      %run_scoped3A = tpu.sem_alloc : memref<!tpu.dma_semaphore, #tpu.memory_space<semaphore_mem>>
      %dma_start3A_15 = tpu.memref_slice %arg3[%mul3A_2] : memref<4096xi32, #tpu.memory_space<hbm>> -> memref<128xi32, #tpu.memory_space<hbm>>
      %dma_start3A_16 = tpu.memref_slice %arg3[%mul3A_2] : memref<4096xi32, #tpu.memory_space<hbm>> -> memref<128xi32, #tpu.memory_space<hbm>>
      tpu.enqueue_dma source(%dma_start3A_16 : memref<128xi32, #tpu.memory_space<hbm>>) target(%arg7 : memref<128xi32, #tpu.memory_space<vmem>>) target_semaphore(%run_scoped3A : memref<!tpu.dma_semaphore, #tpu.memory_space<semaphore_mem>>)
      %dma_wait3A_17 = tpu.memref_slice %arg3[%mul3A_2] : memref<4096xi32, #tpu.memory_space<hbm>> -> memref<128xi32, #tpu.memory_space<hbm>>
      %dma_wait3A_18 = tpu.memref_slice %arg3[%mul3A_2] : memref<4096xi32, #tpu.memory_space<hbm>> -> memref<128xi32, #tpu.memory_space<hbm>>
      tpu.wait_dma2 semaphore(%run_scoped3A : memref<!tpu.dma_semaphore, #tpu.memory_space<semaphore_mem>>) src(%dma_wait3A_18 : memref<128xi32, #tpu.memory_space<hbm>>) dst(%arg7 : memref<128xi32, #tpu.memory_space<vmem>>)
      tpu.yield
    }) : () -> ()
    "tpu.region"() ({
      %run_scoped3A = tpu.sem_alloc : memref<!tpu.dma_semaphore, #tpu.memory_space<semaphore_mem>>
      %dma_start3A_15 = tpu.memref_slice %arg4[%mul3A_4] : memref<1024xi32, #tpu.memory_space<hbm>> -> memref<32xi32, #tpu.memory_space<hbm>>
      %dma_start3A_16 = tpu.memref_slice %arg4[%mul3A_4] : memref<1024xi32, #tpu.memory_space<hbm>> -> memref<32xi32, #tpu.memory_space<hbm>>
      tpu.enqueue_dma source(%dma_start3A_16 : memref<32xi32, #tpu.memory_space<hbm>>) target(%arg8 : memref<32xi32, #tpu.memory_space<vmem>>) target_semaphore(%run_scoped3A : memref<!tpu.dma_semaphore, #tpu.memory_space<semaphore_mem>>)
      %dma_wait3A_17 = tpu.memref_slice %arg4[%mul3A_4] : memref<1024xi32, #tpu.memory_space<hbm>> -> memref<32xi32, #tpu.memory_space<hbm>>
      %dma_wait3A_18 = tpu.memref_slice %arg4[%mul3A_4] : memref<1024xi32, #tpu.memory_space<hbm>> -> memref<32xi32, #tpu.memory_space<hbm>>
      tpu.wait_dma2 semaphore(%run_scoped3A : memref<!tpu.dma_semaphore, #tpu.memory_space<semaphore_mem>>) src(%dma_wait3A_18 : memref<32xi32, #tpu.memory_space<hbm>>) dst(%arg8 : memref<32xi32, #tpu.memory_space<vmem>>)
      tpu.yield
    }) : () -> ()
    %dma_start3A = arith.constant 0 : i32
    %dma_start3A_5 = arith.constant 0 : i32
    %dma_start3A_6 = tpu.memref_slice %arg2[%dma_start3A, %dma_start3A_5] : memref<4000x128xf32, #tpu.memory_space<hbm>> -> memref<4000x128xf32, #tpu.memory_space<hbm>>
    tpu.enqueue_indirect_dma source(%dma_start3A_6 : memref<4000x128xf32, #tpu.memory_space<hbm>>) target(%arg9 : memref<128x128xf32, #tpu.memory_space<vmem>>) offsets(%arg7 : memref<128xi32, #tpu.memory_space<vmem>>) semaphore(%arg11 : memref<!tpu.dma_semaphore, #tpu.memory_space<semaphore_mem>>)
    %dma_start3A_7 = arith.constant 0 : i32
    %dma_start3A_8 = arith.constant 0 : i32
    %dma_start3A_9 = tpu.memref_slice %arg2[%dma_start3A_7, %dma_start3A_8] : memref<4000x128xf32, #tpu.memory_space<hbm>> -> memref<4000x128xf32, #tpu.memory_space<hbm>>
    tpu.enqueue_indirect_dma source(%dma_start3A_9 : memref<4000x128xf32, #tpu.memory_space<hbm>>) target(%arg10 : memref<32x128xf32, #tpu.memory_space<vmem>>) offsets(%arg8 : memref<32xi32, #tpu.memory_space<vmem>>) semaphore(%arg11 : memref<!tpu.dma_semaphore, #tpu.memory_space<semaphore_mem>>)
    %dma_wait3A = arith.constant 0 : i32
    %dma_wait3A_10 = arith.constant 0 : i32
    %dma_wait3A_11 = tpu.memref_slice %arg2[%dma_wait3A, %dma_wait3A_10] : memref<4000x128xf32, #tpu.memory_space<hbm>> -> memref<4000x128xf32, #tpu.memory_space<hbm>>
    tpu.wait_indirect_dma semaphore(%arg11 : memref<!tpu.dma_semaphore, #tpu.memory_space<semaphore_mem>>) src(%dma_wait3A_11 : memref<4000x128xf32, #tpu.memory_space<hbm>>) dst(%arg9 : memref<128x128xf32, #tpu.memory_space<vmem>>)
    %dma_wait3A_12 = arith.constant 0 : i32
    %dma_wait3A_13 = arith.constant 0 : i32
    %dma_wait3A_14 = tpu.memref_slice %arg2[%dma_wait3A_12, %dma_wait3A_13] : memref<4000x128xf32, #tpu.memory_space<hbm>> -> memref<4000x128xf32, #tpu.memory_space<hbm>>
    tpu.wait_indirect_dma semaphore(%arg11 : memref<!tpu.dma_semaphore, #tpu.memory_space<semaphore_mem>>) src(%dma_wait3A_14 : memref<4000x128xf32, #tpu.memory_space<hbm>>) dst(%arg10 : memref<32x128xf32, #tpu.memory_space<vmem>>)
    "tpu.region"() ({
      %run_scoped3A = tpu.sem_alloc : memref<!tpu.dma_semaphore, #tpu.memory_space<semaphore_mem>>
      %dma_start3A_15 = arith.constant 0 : i32
      %dma_start3A_16 = tpu.memref_slice %arg5[%mul3A_2, %dma_start3A_15] : memref<4096x128xf32, #tpu.memory_space<hbm>> -> memref<128x128xf32, #tpu.memory_space<hbm>>
      %dma_start3A_17 = arith.constant 0 : i32
      %dma_start3A_18 = tpu.memref_slice %arg5[%mul3A_2, %dma_start3A_17] : memref<4096x128xf32, #tpu.memory_space<hbm>> -> memref<128x128xf32, #tpu.memory_space<hbm>>
      tpu.enqueue_dma source(%arg9 : memref<128x128xf32, #tpu.memory_space<vmem>>) target(%dma_start3A_18 : memref<128x128xf32, #tpu.memory_space<hbm>>) target_semaphore(%run_scoped3A : memref<!tpu.dma_semaphore, #tpu.memory_space<semaphore_mem>>)
      %dma_wait3A_19 = arith.constant 0 : i32
      %dma_wait3A_20 = tpu.memref_slice %arg5[%mul3A_2, %dma_wait3A_19] : memref<4096x128xf32, #tpu.memory_space<hbm>> -> memref<128x128xf32, #tpu.memory_space<hbm>>
      %dma_wait3A_21 = arith.constant 0 : i32
      %dma_wait3A_22 = tpu.memref_slice %arg5[%mul3A_2, %dma_wait3A_21] : memref<4096x128xf32, #tpu.memory_space<hbm>> -> memref<128x128xf32, #tpu.memory_space<hbm>>
      tpu.wait_dma2 semaphore(%run_scoped3A : memref<!tpu.dma_semaphore, #tpu.memory_space<semaphore_mem>>) src(%arg9 : memref<128x128xf32, #tpu.memory_space<vmem>>) dst(%dma_wait3A_22 : memref<128x128xf32, #tpu.memory_space<hbm>>)
      tpu.yield
    }) : () -> ()
    "tpu.region"() ({
      %run_scoped3A = tpu.sem_alloc : memref<!tpu.dma_semaphore, #tpu.memory_space<semaphore_mem>>
      %dma_start3A_15 = arith.constant 0 : i32
      %dma_start3A_16 = tpu.memref_slice %arg6[%mul3A_4, %dma_start3A_15] : memref<1024x128xf32, #tpu.memory_space<hbm>> -> memref<32x128xf32, #tpu.memory_space<hbm>>
      %dma_start3A_17 = arith.constant 0 : i32
      %dma_start3A_18 = tpu.memref_slice %arg6[%mul3A_4, %dma_start3A_17] : memref<1024x128xf32, #tpu.memory_space<hbm>> -> memref<32x128xf32, #tpu.memory_space<hbm>>
      tpu.enqueue_dma source(%arg10 : memref<32x128xf32, #tpu.memory_space<vmem>>) target(%dma_start3A_18 : memref<32x128xf32, #tpu.memory_space<hbm>>) target_semaphore(%run_scoped3A : memref<!tpu.dma_semaphore, #tpu.memory_space<semaphore_mem>>)
      %dma_wait3A_19 = arith.constant 0 : i32
      %dma_wait3A_20 = tpu.memref_slice %arg6[%mul3A_4, %dma_wait3A_19] : memref<1024x128xf32, #tpu.memory_space<hbm>> -> memref<32x128xf32, #tpu.memory_space<hbm>>
      %dma_wait3A_21 = arith.constant 0 : i32
      %dma_wait3A_22 = tpu.memref_slice %arg6[%mul3A_4, %dma_wait3A_21] : memref<1024x128xf32, #tpu.memory_space<hbm>> -> memref<32x128xf32, #tpu.memory_space<hbm>>
      tpu.wait_dma2 semaphore(%run_scoped3A : memref<!tpu.dma_semaphore, #tpu.memory_space<semaphore_mem>>) src(%arg10 : memref<32x128xf32, #tpu.memory_space<vmem>>) dst(%dma_wait3A_22 : memref<32x128xf32, #tpu.memory_space<hbm>>)
      tpu.yield
    }) : () -> ()
    return
  }
}

module attributes {stable_mosaic.version = 14 : i64} {
  func.func @_score_body(%arg0: i32, %arg1: memref<1024x4x128xf32, #tpu.memory_space<vmem>>, %arg2: memref<1024x128xf32, #tpu.memory_space<vmem>>, %arg3: memref<4x32xf32, #tpu.memory_space<vmem>>, %arg4: memref<4x32xf32, #tpu.memory_space<vmem>>, %arg5: memref<4x32xf32, #tpu.memory_space<vmem>>, %arg6: memref<4x32xf32, #tpu.memory_space<vmem>>, %arg7: memref<1x1024xf32, #tpu.memory_space<vmem>>, %arg8: memref<1024x1024xf32, #tpu.memory_space<vmem>>, %arg9: memref<32x1x1024xf32, #tpu.memory_space<vmem>>, %arg10: memref<32x1x1024xf32, #tpu.memory_space<vmem>>, %arg11: memref<1024x32xf32, #tpu.memory_space<vmem>>, %arg12: memref<1024x32xf32, #tpu.memory_space<vmem>>) attributes {dimension_semantics = [#tpu.dimension_semantics<arbitrary>], iteration_bounds = array<i64: 2>, scalar_prefetch = 0 : i64, scratch_operands = 4 : i64, tpu.core_type = #tpu.core_type<tc>, window_params = [{pipeline_mode = #tpu.pipeline_mode<synchronous>, transform_indices = @transform_0, window_bounds = array<i64: 1024, 4, 128>}, {pipeline_mode = #tpu.pipeline_mode<synchronous>, transform_indices = @transform_1, window_bounds = array<i64: 1024, 128>}, {pipeline_mode = #tpu.pipeline_mode<synchronous>, transform_indices = @transform_2, window_bounds = array<i64: 4, 32>}, {pipeline_mode = #tpu.pipeline_mode<synchronous>, transform_indices = @transform_3, window_bounds = array<i64: 4, 32>}, {pipeline_mode = #tpu.pipeline_mode<synchronous>, transform_indices = @transform_4, window_bounds = array<i64: 4, 32>}, {pipeline_mode = #tpu.pipeline_mode<synchronous>, transform_indices = @transform_5, window_bounds = array<i64: 4, 32>}, {pipeline_mode = #tpu.pipeline_mode<synchronous>, transform_indices = @transform_6, window_bounds = array<i64: 1, 1024>}, {pipeline_mode = #tpu.pipeline_mode<synchronous>, transform_indices = @transform_7, window_bounds = array<i64: 1024, 1024>}]} {
    %eq3A = arith.constant 0 : i32
    %eq3A_0 = arith.cmpi eq, %arg0, %eq3A : i32
    %convert_element_type3A = arith.extui %eq3A_0 : i1 to i32
    %cond3A = arith.constant 0 : i32
    %cond3A_1 = arith.cmpi ne, %convert_element_type3A, %cond3A : i32
    scf.if %cond3A_1 {
      %get3A_746 = arith.constant 0 : index
      %get3A_747 = arith.constant 0 : index
      %get3A_748 = vector.load %arg2[%get3A_746, %get3A_747] : memref<1024x128xf32, #tpu.memory_space<vmem>>, vector<1024x64xf32>
      %transpose3A = tpu.transpose %get3A_748, [1, 0] : vector<1024x64xf32> -> vector<64x1024xf32>
      %slice3A = vector.extract_strided_slice %transpose3A {offsets = [0, 0], sizes = [32, 1024], strides = [1, 1]} : vector<64x1024xf32> to vector<32x1024xf32>
      %slice3A_749 = vector.extract_strided_slice %transpose3A {offsets = [32, 0], sizes = [32, 1024], strides = [1, 1]} : vector<64x1024xf32> to vector<32x1024xf32>
      %exp3A = math.exp %slice3A_749 : vector<32x1024xf32>
      %add3A_750 = arith.constant 1.000000e+00 : f32
      %add3A_751 = vector.broadcast %add3A_750 : f32 to vector<32x1024xf32>
      %add3A_752 = arith.addf %add3A_751, %exp3A : vector<32x1024xf32>
      %log3A_753 = math.log %add3A_752 : vector<32x1024xf32>
      %add3A_754 = arith.addf %slice3A, %log3A_753 : vector<32x1024xf32>
      %exp3A_755 = math.exp %add3A_754 : vector<32x1024xf32>
      %reshape3A = vector.shape_cast %exp3A_755 : vector<32x1024xf32> to vector<32x1x1024xf32>
      %swap3A = arith.constant 0 : index
      %swap3A_756 = arith.constant 0 : index
      %swap3A_757 = arith.constant 0 : index
      %swap3A_758 = vector.load %arg9[%swap3A, %swap3A_756, %swap3A_757] : memref<32x1x1024xf32, #tpu.memory_space<vmem>>, vector<32x1x1024xf32>
      tpu.vector_store %arg9[%swap3A, %swap3A_756, %swap3A_757], %reshape3A {strides = array<i32>} : memref<32x1x1024xf32, #tpu.memory_space<vmem>>, vector<32x1x1024xf32>,
      %neg3A = arith.constant 0.000000e+00 : f32
      %neg3A_759 = vector.broadcast %neg3A : f32 to vector<32x1024xf32>
      %neg3A_760 = arith.subf %neg3A_759, %slice3A : vector<32x1024xf32>
      %exp3A_761 = math.exp %neg3A_760 : vector<32x1024xf32>
      %reshape3A_762 = vector.shape_cast %exp3A_761 : vector<32x1024xf32> to vector<32x1x1024xf32>
      %swap3A_763 = arith.constant 0 : index
      %swap3A_764 = arith.constant 0 : index
      %swap3A_765 = arith.constant 0 : index
      %swap3A_766 = vector.load %arg10[%swap3A_763, %swap3A_764, %swap3A_765] : memref<32x1x1024xf32, #tpu.memory_space<vmem>>, vector<32x1x1024xf32>
      tpu.vector_store %arg10[%swap3A_763, %swap3A_764, %swap3A_765], %reshape3A_762 {strides = array<i32>} : memref<32x1x1024xf32, #tpu.memory_space<vmem>>, vector<32x1x1024xf32>,
      %get3A_767 = arith.constant 0 : index
      %get3A_768 = arith.constant 0 : index
      %get3A_769 = arith.constant 0 : index
      %get3A_770 = vector.load %arg1[%get3A_767, %get3A_768, %get3A_769] : memref<1024x4x128xf32, #tpu.memory_space<vmem>>, vector<1024x1x32xf32>
      %get3A_771 = vector.shape_cast %get3A_770 : vector<1024x1x32xf32> to vector<1024x32xf32>
      %get3A_772 = arith.constant 0 : index
      %get3A_773 = arith.constant 0 : index
      %get3A_774 = arith.constant 32 : index
      %get3A_775 = vector.load %arg1[%get3A_772, %get3A_773, %get3A_774] : memref<1024x4x128xf32, #tpu.memory_space<vmem>>, vector<1024x1x32xf32>
      %get3A_776 = vector.shape_cast %get3A_775 : vector<1024x1x32xf32> to vector<1024x32xf32>
      %get3A_777 = arith.constant 0 : index
      %get3A_778 = arith.constant 0 : index
      %get3A_779 = vector.load %arg3[%get3A_777, %get3A_778] : memref<4x32xf32, #tpu.memory_space<vmem>>, vector<1x32xf32>
      %mul3A_780 = vector.broadcast %get3A_779 : vector<1x32xf32> to vector<1024x32xf32>
      %mul3A_781 = arith.mulf %get3A_771, %mul3A_780 : vector<1024x32xf32>
      %get3A_782 = arith.constant 0 : index
      %get3A_783 = arith.constant 0 : index
      %get3A_784 = vector.load %arg4[%get3A_782, %get3A_783] : memref<4x32xf32, #tpu.memory_space<vmem>>, vector<1x32xf32>
      %add3A_785 = vector.broadcast %get3A_784 : vector<1x32xf32> to vector<1024x32xf32>
      %add3A_786 = arith.addf %mul3A_781, %add3A_785 : vector<1024x32xf32>
      %get3A_787 = arith.constant 0 : index
      %get3A_788 = arith.constant 0 : index
      %get3A_789 = vector.load %arg5[%get3A_787, %get3A_788] : memref<4x32xf32, #tpu.memory_space<vmem>>, vector<1x32xf32>
      %mul3A_790 = vector.broadcast %get3A_789 : vector<1x32xf32> to vector<1024x32xf32>
      %mul3A_791 = arith.mulf %get3A_776, %mul3A_790 : vector<1024x32xf32>
      %get3A_792 = arith.constant 0 : index
      %get3A_793 = arith.constant 0 : index
      %get3A_794 = vector.load %arg6[%get3A_792, %get3A_793] : memref<4x32xf32, #tpu.memory_space<vmem>>, vector<1x32xf32>
      %add3A_795 = vector.broadcast %get3A_794 : vector<1x32xf32> to vector<1024x32xf32>
      %add3A_796 = arith.addf %mul3A_791, %add3A_795 : vector<1024x32xf32>
      %exp3A_797 = math.exp %add3A_796 : vector<1024x32xf32>
      %add3A_798 = arith.constant 1.000000e+00 : f32
      %add3A_799 = vector.broadcast %add3A_798 : f32 to vector<1024x32xf32>
      %add3A_800 = arith.addf %add3A_799, %exp3A_797 : vector<1024x32xf32>
      %log3A_801 = math.log %add3A_800 : vector<1024x32xf32>
      %get3A_802 = arith.constant 0 : index
      %get3A_803 = arith.constant 1 : index
      %get3A_804 = arith.constant 0 : index
      %get3A_805 = vector.load %arg1[%get3A_802, %get3A_803, %get3A_804] : memref<1024x4x128xf32, #tpu.memory_space<vmem>>, vector<1024x1x32xf32>
      %get3A_806 = vector.shape_cast %get3A_805 : vector<1024x1x32xf32> to vector<1024x32xf32>
      %get3A_807 = arith.constant 0 : index
      %get3A_808 = arith.constant 1 : index
      %get3A_809 = arith.constant 32 : index
      %get3A_810 = vector.load %arg1[%get3A_807, %get3A_808, %get3A_809] : memref<1024x4x128xf32, #tpu.memory_space<vmem>>, vector<1024x1x32xf32>
      %get3A_811 = vector.shape_cast %get3A_810 : vector<1024x1x32xf32> to vector<1024x32xf32>
      %get3A_812 = arith.constant 1 : index
      %get3A_813 = arith.constant 0 : index
      %get3A_814 = vector.load %arg3[%get3A_812, %get3A_813] : memref<4x32xf32, #tpu.memory_space<vmem>>, vector<1x32xf32>
      %mul3A_815 = vector.broadcast %get3A_814 : vector<1x32xf32> to vector<1024x32xf32>
      %mul3A_816 = arith.mulf %get3A_806, %mul3A_815 : vector<1024x32xf32>
      %get3A_817 = arith.constant 1 : index
      %get3A_818 = arith.constant 0 : index
      %get3A_819 = vector.load %arg4[%get3A_817, %get3A_818] : memref<4x32xf32, #tpu.memory_space<vmem>>, vector<1x32xf32>
      %add3A_820 = vector.broadcast %get3A_819 : vector<1x32xf32> to vector<1024x32xf32>
      %add3A_821 = arith.addf %mul3A_816, %add3A_820 : vector<1024x32xf32>
      %get3A_822 = arith.constant 1 : index
      %get3A_823 = arith.constant 0 : index
      %get3A_824 = vector.load %arg5[%get3A_822, %get3A_823] : memref<4x32xf32, #tpu.memory_space<vmem>>, vector<1x32xf32>
      %mul3A_825 = vector.broadcast %get3A_824 : vector<1x32xf32> to vector<1024x32xf32>
      %mul3A_826 = arith.mulf %get3A_811, %mul3A_825 : vector<1024x32xf32>
      %get3A_827 = arith.constant 1 : index
      %get3A_828 = arith.constant 0 : index
      %get3A_829 = vector.load %arg6[%get3A_827, %get3A_828] : memref<4x32xf32, #tpu.memory_space<vmem>>, vector<1x32xf32>
      %add3A_830 = vector.broadcast %get3A_829 : vector<1x32xf32> to vector<1024x32xf32>
      %add3A_831 = arith.addf %mul3A_826, %add3A_830 : vector<1024x32xf32>
      %exp3A_832 = math.exp %add3A_831 : vector<1024x32xf32>
      %add3A_833 = arith.constant 1.000000e+00 : f32
      %add3A_834 = vector.broadcast %add3A_833 : f32 to vector<1024x32xf32>
      %add3A_835 = arith.addf %add3A_834, %exp3A_832 : vector<1024x32xf32>
      %log3A_836 = math.log %add3A_835 : vector<1024x32xf32>
      %add3A_837 = arith.addf %add3A_786, %add3A_821 : vector<1024x32xf32>
      %add3A_838 = arith.addf %log3A_801, %log3A_836 : vector<1024x32xf32>
      %get3A_839 = arith.constant 0 : index
      %get3A_840 = arith.constant 2 : index
      %get3A_841 = arith.constant 0 : index
      %get3A_842 = vector.load %arg1[%get3A_839, %get3A_840, %get3A_841] : memref<1024x4x128xf32, #tpu.memory_space<vmem>>, vector<1024x1x32xf32>
      %get3A_843 = vector.shape_cast %get3A_842 : vector<1024x1x32xf32> to vector<1024x32xf32>
      %get3A_844 = arith.constant 0 : index
      %get3A_845 = arith.constant 2 : index
      %get3A_846 = arith.constant 32 : index
      %get3A_847 = vector.load %arg1[%get3A_844, %get3A_845, %get3A_846] : memref<1024x4x128xf32, #tpu.memory_space<vmem>>, vector<1024x1x32xf32>
      %get3A_848 = vector.shape_cast %get3A_847 : vector<1024x1x32xf32> to vector<1024x32xf32>
      %get3A_849 = arith.constant 2 : index
      %get3A_850 = arith.constant 0 : index
      %get3A_851 = vector.load %arg3[%get3A_849, %get3A_850] : memref<4x32xf32, #tpu.memory_space<vmem>>, vector<1x32xf32>
      %mul3A_852 = vector.broadcast %get3A_851 : vector<1x32xf32> to vector<1024x32xf32>
      %mul3A_853 = arith.mulf %get3A_843, %mul3A_852 : vector<1024x32xf32>
      %get3A_854 = arith.constant 2 : index
      %get3A_855 = arith.constant 0 : index
      %get3A_856 = vector.load %arg4[%get3A_854, %get3A_855] : memref<4x32xf32, #tpu.memory_space<vmem>>, vector<1x32xf32>
      %add3A_857 = vector.broadcast %get3A_856 : vector<1x32xf32> to vector<1024x32xf32>
      %add3A_858 = arith.addf %mul3A_853, %add3A_857 : vector<1024x32xf32>
      %get3A_859 = arith.constant 2 : index
      %get3A_860 = arith.constant 0 : index
      %get3A_861 = vector.load %arg5[%get3A_859, %get3A_860] : memref<4x32xf32, #tpu.memory_space<vmem>>, vector<1x32xf32>
      %mul3A_862 = vector.broadcast %get3A_861 : vector<1x32xf32> to vector<1024x32xf32>
      %mul3A_863 = arith.mulf %get3A_848, %mul3A_862 : vector<1024x32xf32>
      %get3A_864 = arith.constant 2 : index
      %get3A_865 = arith.constant 0 : index
      %get3A_866 = vector.load %arg6[%get3A_864, %get3A_865] : memref<4x32xf32, #tpu.memory_space<vmem>>, vector<1x32xf32>
      %add3A_867 = vector.broadcast %get3A_866 : vector<1x32xf32> to vector<1024x32xf32>
      %add3A_868 = arith.addf %mul3A_863, %add3A_867 : vector<1024x32xf32>
      %exp3A_869 = math.exp %add3A_868 : vector<1024x32xf32>
      %add3A_870 = arith.constant 1.000000e+00 : f32
      %add3A_871 = vector.broadcast %add3A_870 : f32 to vector<1024x32xf32>
      %add3A_872 = arith.addf %add3A_871, %exp3A_869 : vector<1024x32xf32>
      %log3A_873 = math.log %add3A_872 : vector<1024x32xf32>
      %add3A_874 = arith.addf %add3A_837, %add3A_858 : vector<1024x32xf32>
      %add3A_875 = arith.addf %add3A_838, %log3A_873 : vector<1024x32xf32>
      %get3A_876 = arith.constant 0 : index
      %get3A_877 = arith.constant 3 : index
      %get3A_878 = arith.constant 0 : index
      %get3A_879 = vector.load %arg1[%get3A_876, %get3A_877, %get3A_878] : memref<1024x4x128xf32, #tpu.memory_space<vmem>>, vector<1024x1x32xf32>
      %get3A_880 = vector.shape_cast %get3A_879 : vector<1024x1x32xf32> to vector<1024x32xf32>
      %get3A_881 = arith.constant 0 : index
      %get3A_882 = arith.constant 3 : index
      %get3A_883 = arith.constant 32 : index
      %get3A_884 = vector.load %arg1[%get3A_881, %get3A_882, %get3A_883] : memref<1024x4x128xf32, #tpu.memory_space<vmem>>, vector<1024x1x32xf32>
      %get3A_885 = vector.shape_cast %get3A_884 : vector<1024x1x32xf32> to vector<1024x32xf32>
      %get3A_886 = arith.constant 3 : index
      %get3A_887 = arith.constant 0 : index
      %get3A_888 = vector.load %arg3[%get3A_886, %get3A_887] : memref<4x32xf32, #tpu.memory_space<vmem>>, vector<1x32xf32>
      %mul3A_889 = vector.broadcast %get3A_888 : vector<1x32xf32> to vector<1024x32xf32>
      %mul3A_890 = arith.mulf %get3A_880, %mul3A_889 : vector<1024x32xf32>
      %get3A_891 = arith.constant 3 : index
      %get3A_892 = arith.constant 0 : index
      %get3A_893 = vector.load %arg4[%get3A_891, %get3A_892] : memref<4x32xf32, #tpu.memory_space<vmem>>, vector<1x32xf32>
      %add3A_894 = vector.broadcast %get3A_893 : vector<1x32xf32> to vector<1024x32xf32>
      %add3A_895 = arith.addf %mul3A_890, %add3A_894 : vector<1024x32xf32>
      %get3A_896 = arith.constant 3 : index
      %get3A_897 = arith.constant 0 : index
      %get3A_898 = vector.load %arg5[%get3A_896, %get3A_897] : memref<4x32xf32, #tpu.memory_space<vmem>>, vector<1x32xf32>
      %mul3A_899 = vector.broadcast %get3A_898 : vector<1x32xf32> to vector<1024x32xf32>
      %mul3A_900 = arith.mulf %get3A_885, %mul3A_899 : vector<1024x32xf32>
      %get3A_901 = arith.constant 3 : index
      %get3A_902 = arith.constant 0 : index
      %get3A_903 = vector.load %arg6[%get3A_901, %get3A_902] : memref<4x32xf32, #tpu.memory_space<vmem>>, vector<1x32xf32>
      %add3A_904 = vector.broadcast %get3A_903 : vector<1x32xf32> to vector<1024x32xf32>
      %add3A_905 = arith.addf %mul3A_900, %add3A_904 : vector<1024x32xf32>
      %exp3A_906 = math.exp %add3A_905 : vector<1024x32xf32>
      %add3A_907 = arith.constant 1.000000e+00 : f32
      %add3A_908 = vector.broadcast %add3A_907 : f32 to vector<1024x32xf32>
      %add3A_909 = arith.addf %add3A_908, %exp3A_906 : vector<1024x32xf32>
      %log3A_910 = math.log %add3A_909 : vector<1024x32xf32>
      %add3A_911 = arith.addf %add3A_874, %add3A_895 : vector<1024x32xf32>
      %add3A_912 = arith.addf %add3A_875, %log3A_910 : vector<1024x32xf32>
      %mul3A_913 = arith.constant 2.500000e-01 : f32
      %mul3A_914 = vector.broadcast %mul3A_913 : f32 to vector<1024x32xf32>
      %mul3A_915 = arith.mulf %add3A_911, %mul3A_914 : vector<1024x32xf32>
      %mul3A_916 = arith.constant 2.500000e-01 : f32
      %mul3A_917 = vector.broadcast %mul3A_916 : f32 to vector<1024x32xf32>
      %mul3A_918 = arith.mulf %add3A_912, %mul3A_917 : vector<1024x32xf32>
      %exp3A_919 = math.exp %mul3A_918 : vector<1024x32xf32>
      %add3A_920 = arith.constant 1.000000e+00 : f32
      %add3A_921 = vector.broadcast %add3A_920 : f32 to vector<1024x32xf32>
      %add3A_922 = arith.addf %add3A_921, %exp3A_919 : vector<1024x32xf32>
      %log3A_923 = math.log %add3A_922 : vector<1024x32xf32>
      %add3A_924 = arith.addf %mul3A_915, %log3A_923 : vector<1024x32xf32>
      %exp3A_925 = math.exp %add3A_924 : vector<1024x32xf32>
      %swap3A_926 = arith.constant 0 : index
      %swap3A_927 = arith.constant 0 : index
      %swap3A_928 = vector.load %arg11[%swap3A_926, %swap3A_927] : memref<1024x32xf32, #tpu.memory_space<vmem>>, vector<1024x32xf32>
      tpu.vector_store %arg11[%swap3A_926, %swap3A_927], %exp3A_925 {strides = array<i32>} : memref<1024x32xf32, #tpu.memory_space<vmem>>, vector<1024x32xf32>,
      %neg3A_929 = arith.constant 0.000000e+00 : f32
      %neg3A_930 = vector.broadcast %neg3A_929 : f32 to vector<1024x32xf32>
      %neg3A_931 = arith.subf %neg3A_930, %mul3A_915 : vector<1024x32xf32>
      %exp3A_932 = math.exp %neg3A_931 : vector<1024x32xf32>
      %swap3A_933 = arith.constant 0 : index
      %swap3A_934 = arith.constant 0 : index
      %swap3A_935 = vector.load %arg12[%swap3A_933, %swap3A_934] : memref<1024x32xf32, #tpu.memory_space<vmem>>, vector<1024x32xf32>
      tpu.vector_store %arg12[%swap3A_933, %swap3A_934], %exp3A_932 {strides = array<i32>} : memref<1024x32xf32, #tpu.memory_space<vmem>>, vector<1024x32xf32>,
    } else {
    }
    %get3A = arith.constant 0 : index
    %get3A_2 = arith.constant 0 : index
    %get3A_3 = vector.load %arg11[%get3A, %get3A_2] : memref<1024x32xf32, #tpu.memory_space<vmem>>, vector<1024x32xf32>
    %get3A_4 = arith.constant 0 : index
    %get3A_5 = arith.constant 0 : index
    %get3A_6 = vector.load %arg12[%get3A_4, %get3A_5] : memref<1024x32xf32, #tpu.memory_space<vmem>>, vector<1024x32xf32>
    %iota3A = tpu.iota {dimensions = array<i32: 1>} : vector<1024x32xi32>
    %mul3A = arith.constant 16 : i32
    %mul3A_7 = arith.muli %arg0, %mul3A : i32
    %add3A = arith.constant 0 : i32
    %add3A_8 = arith.addi %mul3A_7, %add3A : i32
    %get3A_9 = arith.index_cast %add3A_8 : i32 to index
    %get3A_10 = arith.constant 0 : index
    %get3A_11 = arith.constant 0 : index
    %get3A_12 = vector.load %arg9[%get3A_9, %get3A_10, %get3A_11] : memref<32x1x1024xf32, #tpu.memory_space<vmem>>, vector<1x1x1024xf32>
    %get3A_13 = vector.shape_cast %get3A_12 : vector<1x1x1024xf32> to vector<1x1024xf32>
    %get3A_14 = arith.index_cast %add3A_8 : i32 to index
    %get3A_15 = arith.constant 0 : index
    %get3A_16 = arith.constant 0 : index
    %get3A_17 = vector.load %arg10[%get3A_14, %get3A_15, %get3A_16] : memref<32x1x1024xf32, #tpu.memory_space<vmem>>, vector<1x1x1024xf32>
    %get3A_18 = vector.shape_cast %get3A_17 : vector<1x1x1024xf32> to vector<1x1024xf32>
    %eq3A_19 = vector.broadcast %add3A_8 : i32 to vector<1024x32xi32>
    %eq3A_20 = arith.cmpi eq, %iota3A, %eq3A_19 : vector<1024x32xi32>
    %jit3A = arith.constant 0.000000e+00 : f32
    %broadcast_in_dim3A = vector.broadcast %jit3A : f32 to vector<1024x32xf32>
    %select_n3A = arith.select %eq3A_20, %get3A_3, %broadcast_in_dim3A : vector<1024x32xi1>, vector<1024x32xf32>
    %reduce_sum3A = arith.constant dense<0.000000e+00> : vector<1024xf32>
    %reduce_sum3A_21 = vector.multi_reduction <add>, %select_n3A, %reduce_sum3A [1] : vector<1024x32xf32> to vector<1024xf32>
    %broadcast_in_dim3A_22 = vector.shape_cast %reduce_sum3A_21 : vector<1024xf32> to vector<1024x1xf32>
    %jit3A_23 = arith.constant 0.000000e+00 : f32
    %broadcast_in_dim3A_24 = vector.broadcast %jit3A_23 : f32 to vector<1024x32xf32>
    %select_n3A_25 = arith.select %eq3A_20, %get3A_6, %broadcast_in_dim3A_24 : vector<1024x32xi1>, vector<1024x32xf32>
    %reduce_sum3A_26 = arith.constant dense<0.000000e+00> : vector<1024xf32>
    %reduce_sum3A_27 = vector.multi_reduction <add>, %select_n3A_25, %reduce_sum3A_26 [1] : vector<1024x32xf32> to vector<1024xf32>
    %broadcast_in_dim3A_28 = vector.shape_cast %reduce_sum3A_27 : vector<1024xf32> to vector<1024x1xf32>
    %min3A = vector.broadcast %get3A_13 : vector<1x1024xf32> to vector<1024x1024xf32>
    %min3A_29 = vector.broadcast %broadcast_in_dim3A_22 : vector<1024x1xf32> to vector<1024x1024xf32>
    %min3A_30 = arith.minimumf %min3A, %min3A_29 : vector<1024x1024xf32>
    %min3A_31 = vector.broadcast %get3A_18 : vector<1x1024xf32> to vector<1024x1024xf32>
    %min3A_32 = vector.broadcast %broadcast_in_dim3A_28 : vector<1024x1xf32> to vector<1024x1024xf32>
    %min3A_33 = arith.minimumf %min3A_31, %min3A_32 : vector<1024x1024xf32>
    %mul3A_34 = arith.mulf %min3A_30, %min3A_33 : vector<1024x1024xf32>
    %le3A = arith.constant 0.006737947 : f32
    %le3A_35 = vector.broadcast %le3A : f32 to vector<1024x1024xf32>
    %le3A_36 = arith.cmpf ole, %mul3A_34, %le3A_35 : vector<1024x1024xf32>
    %add3A_37 = arith.constant 1.000000e+00 : f32
    %add3A_38 = vector.broadcast %add3A_37 : f32 to vector<1024x1024xf32>
    %add3A_39 = arith.addf %add3A_38, %mul3A_34 : vector<1024x1024xf32>
    %log3A = math.log %add3A_39 : vector<1024x1024xf32>
    %select_n3A_40 = arith.select %le3A_36, %mul3A_34, %log3A : vector<1024x1024xi1>, vector<1024x1024xf32>
    %mul3A_41 = arith.constant 16 : i32
    %mul3A_42 = arith.muli %arg0, %mul3A_41 : i32
    %add3A_43 = arith.constant 1 : i32
    %add3A_44 = arith.addi %mul3A_42, %add3A_43 : i32
    %get3A_45 = arith.index_cast %add3A_44 : i32 to index
    %get3A_46 = arith.constant 0 : index
    %get3A_47 = arith.constant 0 : index
    %get3A_48 = vector.load %arg9[%get3A_45, %get3A_46, %get3A_47] : memref<32x1x1024xf32, #tpu.memory_space<vmem>>, vector<1x1x1024xf32>
    %get3A_49 = vector.shape_cast %get3A_48 : vector<1x1x1024xf32> to vector<1x1024xf32>
    %get3A_50 = arith.index_cast %add3A_44 : i32 to index
    %get3A_51 = arith.constant 0 : index
    %get3A_52 = arith.constant 0 : index
    %get3A_53 = vector.load %arg10[%get3A_50, %get3A_51, %get3A_52] : memref<32x1x1024xf32, #tpu.memory_space<vmem>>, vector<1x1x1024xf32>
    %get3A_54 = vector.shape_cast %get3A_53 : vector<1x1x1024xf32> to vector<1x1024xf32>
    %eq3A_55 = vector.broadcast %add3A_44 : i32 to vector<1024x32xi32>
    %eq3A_56 = arith.cmpi eq, %iota3A, %eq3A_55 : vector<1024x32xi32>
    %jit3A_57 = arith.constant 0.000000e+00 : f32
    %broadcast_in_dim3A_58 = vector.broadcast %jit3A_57 : f32 to vector<1024x32xf32>
    %select_n3A_59 = arith.select %eq3A_56, %get3A_3, %broadcast_in_dim3A_58 : vector<1024x32xi1>, vector<1024x32xf32>
    %reduce_sum3A_60 = arith.constant dense<0.000000e+00> : vector<1024xf32>
    %reduce_sum3A_61 = vector.multi_reduction <add>, %select_n3A_59, %reduce_sum3A_60 [1] : vector<1024x32xf32> to vector<1024xf32>
    %broadcast_in_dim3A_62 = vector.shape_cast %reduce_sum3A_61 : vector<1024xf32> to vector<1024x1xf32>
    %jit3A_63 = arith.constant 0.000000e+00 : f32
    %broadcast_in_dim3A_64 = vector.broadcast %jit3A_63 : f32 to vector<1024x32xf32>
    %select_n3A_65 = arith.select %eq3A_56, %get3A_6, %broadcast_in_dim3A_64 : vector<1024x32xi1>, vector<1024x32xf32>
    %reduce_sum3A_66 = arith.constant dense<0.000000e+00> : vector<1024xf32>
    %reduce_sum3A_67 = vector.multi_reduction <add>, %select_n3A_65, %reduce_sum3A_66 [1] : vector<1024x32xf32> to vector<1024xf32>
    %broadcast_in_dim3A_68 = vector.shape_cast %reduce_sum3A_67 : vector<1024xf32> to vector<1024x1xf32>
    %min3A_69 = vector.broadcast %get3A_49 : vector<1x1024xf32> to vector<1024x1024xf32>
    %min3A_70 = vector.broadcast %broadcast_in_dim3A_62 : vector<1024x1xf32> to vector<1024x1024xf32>
    %min3A_71 = arith.minimumf %min3A_69, %min3A_70 : vector<1024x1024xf32>
    %min3A_72 = vector.broadcast %get3A_54 : vector<1x1024xf32> to vector<1024x1024xf32>
    %min3A_73 = vector.broadcast %broadcast_in_dim3A_68 : vector<1024x1xf32> to vector<1024x1024xf32>
    %min3A_74 = arith.minimumf %min3A_72, %min3A_73 : vector<1024x1024xf32>
    %mul3A_75 = arith.mulf %min3A_71, %min3A_74 : vector<1024x1024xf32>
    %le3A_76 = arith.constant 0.006737947 : f32
    %le3A_77 = vector.broadcast %le3A_76 : f32 to vector<1024x1024xf32>
    %le3A_78 = arith.cmpf ole, %mul3A_75, %le3A_77 : vector<1024x1024xf32>
    %add3A_79 = arith.constant 1.000000e+00 : f32
    %add3A_80 = vector.broadcast %add3A_79 : f32 to vector<1024x1024xf32>
    %add3A_81 = arith.addf %add3A_80, %mul3A_75 : vector<1024x1024xf32>
    %log3A_82 = math.log %add3A_81 : vector<1024x1024xf32>
    %select_n3A_83 = arith.select %le3A_78, %mul3A_75, %log3A_82 : vector<1024x1024xi1>, vector<1024x1024xf32>
    %mul3A_84 = arith.constant 16 : i32
    %mul3A_85 = arith.muli %arg0, %mul3A_84 : i32
    %add3A_86 = arith.constant 2 : i32
    %add3A_87 = arith.addi %mul3A_85, %add3A_86 : i32
    %get3A_88 = arith.index_cast %add3A_87 : i32 to index
    %get3A_89 = arith.constant 0 : index
    %get3A_90 = arith.constant 0 : index
    %get3A_91 = vector.load %arg9[%get3A_88, %get3A_89, %get3A_90] : memref<32x1x1024xf32, #tpu.memory_space<vmem>>, vector<1x1x1024xf32>
    %get3A_92 = vector.shape_cast %get3A_91 : vector<1x1x1024xf32> to vector<1x1024xf32>
    %get3A_93 = arith.index_cast %add3A_87 : i32 to index
    %get3A_94 = arith.constant 0 : index
    %get3A_95 = arith.constant 0 : index
    %get3A_96 = vector.load %arg10[%get3A_93, %get3A_94, %get3A_95] : memref<32x1x1024xf32, #tpu.memory_space<vmem>>, vector<1x1x1024xf32>
    %get3A_97 = vector.shape_cast %get3A_96 : vector<1x1x1024xf32> to vector<1x1024xf32>
    %eq3A_98 = vector.broadcast %add3A_87 : i32 to vector<1024x32xi32>
    %eq3A_99 = arith.cmpi eq, %iota3A, %eq3A_98 : vector<1024x32xi32>
    %jit3A_100 = arith.constant 0.000000e+00 : f32
    %broadcast_in_dim3A_101 = vector.broadcast %jit3A_100 : f32 to vector<1024x32xf32>
    %select_n3A_102 = arith.select %eq3A_99, %get3A_3, %broadcast_in_dim3A_101 : vector<1024x32xi1>, vector<1024x32xf32>
    %reduce_sum3A_103 = arith.constant dense<0.000000e+00> : vector<1024xf32>
    %reduce_sum3A_104 = vector.multi_reduction <add>, %select_n3A_102, %reduce_sum3A_103 [1] : vector<1024x32xf32> to vector<1024xf32>
    %broadcast_in_dim3A_105 = vector.shape_cast %reduce_sum3A_104 : vector<1024xf32> to vector<1024x1xf32>
    %jit3A_106 = arith.constant 0.000000e+00 : f32
    %broadcast_in_dim3A_107 = vector.broadcast %jit3A_106 : f32 to vector<1024x32xf32>
    %select_n3A_108 = arith.select %eq3A_99, %get3A_6, %broadcast_in_dim3A_107 : vector<1024x32xi1>, vector<1024x32xf32>
    %reduce_sum3A_109 = arith.constant dense<0.000000e+00> : vector<1024xf32>
    %reduce_sum3A_110 = vector.multi_reduction <add>, %select_n3A_108, %reduce_sum3A_109 [1] : vector<1024x32xf32> to vector<1024xf32>
    %broadcast_in_dim3A_111 = vector.shape_cast %reduce_sum3A_110 : vector<1024xf32> to vector<1024x1xf32>
    %min3A_112 = vector.broadcast %get3A_92 : vector<1x1024xf32> to vector<1024x1024xf32>
    %min3A_113 = vector.broadcast %broadcast_in_dim3A_105 : vector<1024x1xf32> to vector<1024x1024xf32>
    %min3A_114 = arith.minimumf %min3A_112, %min3A_113 : vector<1024x1024xf32>
    %min3A_115 = vector.broadcast %get3A_97 : vector<1x1024xf32> to vector<1024x1024xf32>
    %min3A_116 = vector.broadcast %broadcast_in_dim3A_111 : vector<1024x1xf32> to vector<1024x1024xf32>
    %min3A_117 = arith.minimumf %min3A_115, %min3A_116 : vector<1024x1024xf32>
    %mul3A_118 = arith.mulf %min3A_114, %min3A_117 : vector<1024x1024xf32>
    %le3A_119 = arith.constant 0.006737947 : f32
    %le3A_120 = vector.broadcast %le3A_119 : f32 to vector<1024x1024xf32>
    %le3A_121 = arith.cmpf ole, %mul3A_118, %le3A_120 : vector<1024x1024xf32>
    %add3A_122 = arith.constant 1.000000e+00 : f32
    %add3A_123 = vector.broadcast %add3A_122 : f32 to vector<1024x1024xf32>
    %add3A_124 = arith.addf %add3A_123, %mul3A_118 : vector<1024x1024xf32>
    %log3A_125 = math.log %add3A_124 : vector<1024x1024xf32>
    %select_n3A_126 = arith.select %le3A_121, %mul3A_118, %log3A_125 : vector<1024x1024xi1>, vector<1024x1024xf32>
    %mul3A_127 = arith.constant 16 : i32
    %mul3A_128 = arith.muli %arg0, %mul3A_127 : i32
    %add3A_129 = arith.constant 3 : i32
    %add3A_130 = arith.addi %mul3A_128, %add3A_129 : i32
    %get3A_131 = arith.index_cast %add3A_130 : i32 to index
    %get3A_132 = arith.constant 0 : index
    %get3A_133 = arith.constant 0 : index
    %get3A_134 = vector.load %arg9[%get3A_131, %get3A_132, %get3A_133] : memref<32x1x1024xf32, #tpu.memory_space<vmem>>, vector<1x1x1024xf32>
    %get3A_135 = vector.shape_cast %get3A_134 : vector<1x1x1024xf32> to vector<1x1024xf32>
    %get3A_136 = arith.index_cast %add3A_130 : i32 to index
    %get3A_137 = arith.constant 0 : index
    %get3A_138 = arith.constant 0 : index
    %get3A_139 = vector.load %arg10[%get3A_136, %get3A_137, %get3A_138] : memref<32x1x1024xf32, #tpu.memory_space<vmem>>, vector<1x1x1024xf32>
    %get3A_140 = vector.shape_cast %get3A_139 : vector<1x1x1024xf32> to vector<1x1024xf32>
    %eq3A_141 = vector.broadcast %add3A_130 : i32 to vector<1024x32xi32>
    %eq3A_142 = arith.cmpi eq, %iota3A, %eq3A_141 : vector<1024x32xi32>
    %jit3A_143 = arith.constant 0.000000e+00 : f32
    %broadcast_in_dim3A_144 = vector.broadcast %jit3A_143 : f32 to vector<1024x32xf32>
    %select_n3A_145 = arith.select %eq3A_142, %get3A_3, %broadcast_in_dim3A_144 : vector<1024x32xi1>, vector<1024x32xf32>
    %reduce_sum3A_146 = arith.constant dense<0.000000e+00> : vector<1024xf32>
    %reduce_sum3A_147 = vector.multi_reduction <add>, %select_n3A_145, %reduce_sum3A_146 [1] : vector<1024x32xf32> to vector<1024xf32>
    %broadcast_in_dim3A_148 = vector.shape_cast %reduce_sum3A_147 : vector<1024xf32> to vector<1024x1xf32>
    %jit3A_149 = arith.constant 0.000000e+00 : f32
    %broadcast_in_dim3A_150 = vector.broadcast %jit3A_149 : f32 to vector<1024x32xf32>
    %select_n3A_151 = arith.select %eq3A_142, %get3A_6, %broadcast_in_dim3A_150 : vector<1024x32xi1>, vector<1024x32xf32>
    %reduce_sum3A_152 = arith.constant dense<0.000000e+00> : vector<1024xf32>
    %reduce_sum3A_153 = vector.multi_reduction <add>, %select_n3A_151, %reduce_sum3A_152 [1] : vector<1024x32xf32> to vector<1024xf32>
    %broadcast_in_dim3A_154 = vector.shape_cast %reduce_sum3A_153 : vector<1024xf32> to vector<1024x1xf32>
    %min3A_155 = vector.broadcast %get3A_135 : vector<1x1024xf32> to vector<1024x1024xf32>
    %min3A_156 = vector.broadcast %broadcast_in_dim3A_148 : vector<1024x1xf32> to vector<1024x1024xf32>
    %min3A_157 = arith.minimumf %min3A_155, %min3A_156 : vector<1024x1024xf32>
    %min3A_158 = vector.broadcast %get3A_140 : vector<1x1024xf32> to vector<1024x1024xf32>
    %min3A_159 = vector.broadcast %broadcast_in_dim3A_154 : vector<1024x1xf32> to vector<1024x1024xf32>
    %min3A_160 = arith.minimumf %min3A_158, %min3A_159 : vector<1024x1024xf32>
    %mul3A_161 = arith.mulf %min3A_157, %min3A_160 : vector<1024x1024xf32>
    %le3A_162 = arith.constant 0.006737947 : f32
    %le3A_163 = vector.broadcast %le3A_162 : f32 to vector<1024x1024xf32>
    %le3A_164 = arith.cmpf ole, %mul3A_161, %le3A_163 : vector<1024x1024xf32>
    %add3A_165 = arith.constant 1.000000e+00 : f32
    %add3A_166 = vector.broadcast %add3A_165 : f32 to vector<1024x1024xf32>
    %add3A_167 = arith.addf %add3A_166, %mul3A_161 : vector<1024x1024xf32>
    %log3A_168 = math.log %add3A_167 : vector<1024x1024xf32>
    %select_n3A_169 = arith.select %le3A_164, %mul3A_161, %log3A_168 : vector<1024x1024xi1>, vector<1024x1024xf32>
    %mul3A_170 = arith.constant 16 : i32
    %mul3A_171 = arith.muli %arg0, %mul3A_170 : i32
    %add3A_172 = arith.constant 4 : i32
    %add3A_173 = arith.addi %mul3A_171, %add3A_172 : i32
    %get3A_174 = arith.index_cast %add3A_173 : i32 to index
    %get3A_175 = arith.constant 0 : index
    %get3A_176 = arith.constant 0 : index
    %get3A_177 = vector.load %arg9[%get3A_174, %get3A_175, %get3A_176] : memref<32x1x1024xf32, #tpu.memory_space<vmem>>, vector<1x1x1024xf32>
    %get3A_178 = vector.shape_cast %get3A_177 : vector<1x1x1024xf32> to vector<1x1024xf32>
    %get3A_179 = arith.index_cast %add3A_173 : i32 to index
    %get3A_180 = arith.constant 0 : index
    %get3A_181 = arith.constant 0 : index
    %get3A_182 = vector.load %arg10[%get3A_179, %get3A_180, %get3A_181] : memref<32x1x1024xf32, #tpu.memory_space<vmem>>, vector<1x1x1024xf32>
    %get3A_183 = vector.shape_cast %get3A_182 : vector<1x1x1024xf32> to vector<1x1024xf32>
    %eq3A_184 = vector.broadcast %add3A_173 : i32 to vector<1024x32xi32>
    %eq3A_185 = arith.cmpi eq, %iota3A, %eq3A_184 : vector<1024x32xi32>
    %jit3A_186 = arith.constant 0.000000e+00 : f32
    %broadcast_in_dim3A_187 = vector.broadcast %jit3A_186 : f32 to vector<1024x32xf32>
    %select_n3A_188 = arith.select %eq3A_185, %get3A_3, %broadcast_in_dim3A_187 : vector<1024x32xi1>, vector<1024x32xf32>
    %reduce_sum3A_189 = arith.constant dense<0.000000e+00> : vector<1024xf32>
    %reduce_sum3A_190 = vector.multi_reduction <add>, %select_n3A_188, %reduce_sum3A_189 [1] : vector<1024x32xf32> to vector<1024xf32>
    %broadcast_in_dim3A_191 = vector.shape_cast %reduce_sum3A_190 : vector<1024xf32> to vector<1024x1xf32>
    %jit3A_192 = arith.constant 0.000000e+00 : f32
    %broadcast_in_dim3A_193 = vector.broadcast %jit3A_192 : f32 to vector<1024x32xf32>
    %select_n3A_194 = arith.select %eq3A_185, %get3A_6, %broadcast_in_dim3A_193 : vector<1024x32xi1>, vector<1024x32xf32>
    %reduce_sum3A_195 = arith.constant dense<0.000000e+00> : vector<1024xf32>
    %reduce_sum3A_196 = vector.multi_reduction <add>, %select_n3A_194, %reduce_sum3A_195 [1] : vector<1024x32xf32> to vector<1024xf32>
    %broadcast_in_dim3A_197 = vector.shape_cast %reduce_sum3A_196 : vector<1024xf32> to vector<1024x1xf32>
    %min3A_198 = vector.broadcast %get3A_178 : vector<1x1024xf32> to vector<1024x1024xf32>
    %min3A_199 = vector.broadcast %broadcast_in_dim3A_191 : vector<1024x1xf32> to vector<1024x1024xf32>
    %min3A_200 = arith.minimumf %min3A_198, %min3A_199 : vector<1024x1024xf32>
    %min3A_201 = vector.broadcast %get3A_183 : vector<1x1024xf32> to vector<1024x1024xf32>
    %min3A_202 = vector.broadcast %broadcast_in_dim3A_197 : vector<1024x1xf32> to vector<1024x1024xf32>
    %min3A_203 = arith.minimumf %min3A_201, %min3A_202 : vector<1024x1024xf32>
    %mul3A_204 = arith.mulf %min3A_200, %min3A_203 : vector<1024x1024xf32>
    %le3A_205 = arith.constant 0.006737947 : f32
    %le3A_206 = vector.broadcast %le3A_205 : f32 to vector<1024x1024xf32>
    %le3A_207 = arith.cmpf ole, %mul3A_204, %le3A_206 : vector<1024x1024xf32>
    %add3A_208 = arith.constant 1.000000e+00 : f32
    %add3A_209 = vector.broadcast %add3A_208 : f32 to vector<1024x1024xf32>
    %add3A_210 = arith.addf %add3A_209, %mul3A_204 : vector<1024x1024xf32>
    %log3A_211 = math.log %add3A_210 : vector<1024x1024xf32>
    %select_n3A_212 = arith.select %le3A_207, %mul3A_204, %log3A_211 : vector<1024x1024xi1>, vector<1024x1024xf32>
    %mul3A_213 = arith.constant 16 : i32
    %mul3A_214 = arith.muli %arg0, %mul3A_213 : i32
    %add3A_215 = arith.constant 5 : i32
    %add3A_216 = arith.addi %mul3A_214, %add3A_215 : i32
    %get3A_217 = arith.index_cast %add3A_216 : i32 to index
    %get3A_218 = arith.constant 0 : index
    %get3A_219 = arith.constant 0 : index
    %get3A_220 = vector.load %arg9[%get3A_217, %get3A_218, %get3A_219] : memref<32x1x1024xf32, #tpu.memory_space<vmem>>, vector<1x1x1024xf32>
    %get3A_221 = vector.shape_cast %get3A_220 : vector<1x1x1024xf32> to vector<1x1024xf32>
    %get3A_222 = arith.index_cast %add3A_216 : i32 to index
    %get3A_223 = arith.constant 0 : index
    %get3A_224 = arith.constant 0 : index
    %get3A_225 = vector.load %arg10[%get3A_222, %get3A_223, %get3A_224] : memref<32x1x1024xf32, #tpu.memory_space<vmem>>, vector<1x1x1024xf32>
    %get3A_226 = vector.shape_cast %get3A_225 : vector<1x1x1024xf32> to vector<1x1024xf32>
    %eq3A_227 = vector.broadcast %add3A_216 : i32 to vector<1024x32xi32>
    %eq3A_228 = arith.cmpi eq, %iota3A, %eq3A_227 : vector<1024x32xi32>
    %jit3A_229 = arith.constant 0.000000e+00 : f32
    %broadcast_in_dim3A_230 = vector.broadcast %jit3A_229 : f32 to vector<1024x32xf32>
    %select_n3A_231 = arith.select %eq3A_228, %get3A_3, %broadcast_in_dim3A_230 : vector<1024x32xi1>, vector<1024x32xf32>
    %reduce_sum3A_232 = arith.constant dense<0.000000e+00> : vector<1024xf32>
    %reduce_sum3A_233 = vector.multi_reduction <add>, %select_n3A_231, %reduce_sum3A_232 [1] : vector<1024x32xf32> to vector<1024xf32>
    %broadcast_in_dim3A_234 = vector.shape_cast %reduce_sum3A_233 : vector<1024xf32> to vector<1024x1xf32>
    %jit3A_235 = arith.constant 0.000000e+00 : f32
    %broadcast_in_dim3A_236 = vector.broadcast %jit3A_235 : f32 to vector<1024x32xf32>
    %select_n3A_237 = arith.select %eq3A_228, %get3A_6, %broadcast_in_dim3A_236 : vector<1024x32xi1>, vector<1024x32xf32>
    %reduce_sum3A_238 = arith.constant dense<0.000000e+00> : vector<1024xf32>
    %reduce_sum3A_239 = vector.multi_reduction <add>, %select_n3A_237, %reduce_sum3A_238 [1] : vector<1024x32xf32> to vector<1024xf32>
    %broadcast_in_dim3A_240 = vector.shape_cast %reduce_sum3A_239 : vector<1024xf32> to vector<1024x1xf32>
    %min3A_241 = vector.broadcast %get3A_221 : vector<1x1024xf32> to vector<1024x1024xf32>
    %min3A_242 = vector.broadcast %broadcast_in_dim3A_234 : vector<1024x1xf32> to vector<1024x1024xf32>
    %min3A_243 = arith.minimumf %min3A_241, %min3A_242 : vector<1024x1024xf32>
    %min3A_244 = vector.broadcast %get3A_226 : vector<1x1024xf32> to vector<1024x1024xf32>
    %min3A_245 = vector.broadcast %broadcast_in_dim3A_240 : vector<1024x1xf32> to vector<1024x1024xf32>
    %min3A_246 = arith.minimumf %min3A_244, %min3A_245 : vector<1024x1024xf32>
    %mul3A_247 = arith.mulf %min3A_243, %min3A_246 : vector<1024x1024xf32>
    %le3A_248 = arith.constant 0.006737947 : f32
    %le3A_249 = vector.broadcast %le3A_248 : f32 to vector<1024x1024xf32>
    %le3A_250 = arith.cmpf ole, %mul3A_247, %le3A_249 : vector<1024x1024xf32>
    %add3A_251 = arith.constant 1.000000e+00 : f32
    %add3A_252 = vector.broadcast %add3A_251 : f32 to vector<1024x1024xf32>
    %add3A_253 = arith.addf %add3A_252, %mul3A_247 : vector<1024x1024xf32>
    %log3A_254 = math.log %add3A_253 : vector<1024x1024xf32>
    %select_n3A_255 = arith.select %le3A_250, %mul3A_247, %log3A_254 : vector<1024x1024xi1>, vector<1024x1024xf32>
    %mul3A_256 = arith.constant 16 : i32
    %mul3A_257 = arith.muli %arg0, %mul3A_256 : i32
    %add3A_258 = arith.constant 6 : i32
    %add3A_259 = arith.addi %mul3A_257, %add3A_258 : i32
    %get3A_260 = arith.index_cast %add3A_259 : i32 to index
    %get3A_261 = arith.constant 0 : index
    %get3A_262 = arith.constant 0 : index
    %get3A_263 = vector.load %arg9[%get3A_260, %get3A_261, %get3A_262] : memref<32x1x1024xf32, #tpu.memory_space<vmem>>, vector<1x1x1024xf32>
    %get3A_264 = vector.shape_cast %get3A_263 : vector<1x1x1024xf32> to vector<1x1024xf32>
    %get3A_265 = arith.index_cast %add3A_259 : i32 to index
    %get3A_266 = arith.constant 0 : index
    %get3A_267 = arith.constant 0 : index
    %get3A_268 = vector.load %arg10[%get3A_265, %get3A_266, %get3A_267] : memref<32x1x1024xf32, #tpu.memory_space<vmem>>, vector<1x1x1024xf32>
    %get3A_269 = vector.shape_cast %get3A_268 : vector<1x1x1024xf32> to vector<1x1024xf32>
    %eq3A_270 = vector.broadcast %add3A_259 : i32 to vector<1024x32xi32>
    %eq3A_271 = arith.cmpi eq, %iota3A, %eq3A_270 : vector<1024x32xi32>
    %jit3A_272 = arith.constant 0.000000e+00 : f32
    %broadcast_in_dim3A_273 = vector.broadcast %jit3A_272 : f32 to vector<1024x32xf32>
    %select_n3A_274 = arith.select %eq3A_271, %get3A_3, %broadcast_in_dim3A_273 : vector<1024x32xi1>, vector<1024x32xf32>
    %reduce_sum3A_275 = arith.constant dense<0.000000e+00> : vector<1024xf32>
    %reduce_sum3A_276 = vector.multi_reduction <add>, %select_n3A_274, %reduce_sum3A_275 [1] : vector<1024x32xf32> to vector<1024xf32>
    %broadcast_in_dim3A_277 = vector.shape_cast %reduce_sum3A_276 : vector<1024xf32> to vector<1024x1xf32>
    %jit3A_278 = arith.constant 0.000000e+00 : f32
    %broadcast_in_dim3A_279 = vector.broadcast %jit3A_278 : f32 to vector<1024x32xf32>
    %select_n3A_280 = arith.select %eq3A_271, %get3A_6, %broadcast_in_dim3A_279 : vector<1024x32xi1>, vector<1024x32xf32>
    %reduce_sum3A_281 = arith.constant dense<0.000000e+00> : vector<1024xf32>
    %reduce_sum3A_282 = vector.multi_reduction <add>, %select_n3A_280, %reduce_sum3A_281 [1] : vector<1024x32xf32> to vector<1024xf32>
    %broadcast_in_dim3A_283 = vector.shape_cast %reduce_sum3A_282 : vector<1024xf32> to vector<1024x1xf32>
    %min3A_284 = vector.broadcast %get3A_264 : vector<1x1024xf32> to vector<1024x1024xf32>
    %min3A_285 = vector.broadcast %broadcast_in_dim3A_277 : vector<1024x1xf32> to vector<1024x1024xf32>
    %min3A_286 = arith.minimumf %min3A_284, %min3A_285 : vector<1024x1024xf32>
    %min3A_287 = vector.broadcast %get3A_269 : vector<1x1024xf32> to vector<1024x1024xf32>
    %min3A_288 = vector.broadcast %broadcast_in_dim3A_283 : vector<1024x1xf32> to vector<1024x1024xf32>
    %min3A_289 = arith.minimumf %min3A_287, %min3A_288 : vector<1024x1024xf32>
    %mul3A_290 = arith.mulf %min3A_286, %min3A_289 : vector<1024x1024xf32>
    %le3A_291 = arith.constant 0.006737947 : f32
    %le3A_292 = vector.broadcast %le3A_291 : f32 to vector<1024x1024xf32>
    %le3A_293 = arith.cmpf ole, %mul3A_290, %le3A_292 : vector<1024x1024xf32>
    %add3A_294 = arith.constant 1.000000e+00 : f32
    %add3A_295 = vector.broadcast %add3A_294 : f32 to vector<1024x1024xf32>
    %add3A_296 = arith.addf %add3A_295, %mul3A_290 : vector<1024x1024xf32>
    %log3A_297 = math.log %add3A_296 : vector<1024x1024xf32>
    %select_n3A_298 = arith.select %le3A_293, %mul3A_290, %log3A_297 : vector<1024x1024xi1>, vector<1024x1024xf32>
    %mul3A_299 = arith.constant 16 : i32
    %mul3A_300 = arith.muli %arg0, %mul3A_299 : i32
    %add3A_301 = arith.constant 7 : i32
    %add3A_302 = arith.addi %mul3A_300, %add3A_301 : i32
    %get3A_303 = arith.index_cast %add3A_302 : i32 to index
    %get3A_304 = arith.constant 0 : index
    %get3A_305 = arith.constant 0 : index
    %get3A_306 = vector.load %arg9[%get3A_303, %get3A_304, %get3A_305] : memref<32x1x1024xf32, #tpu.memory_space<vmem>>, vector<1x1x1024xf32>
    %get3A_307 = vector.shape_cast %get3A_306 : vector<1x1x1024xf32> to vector<1x1024xf32>
    %get3A_308 = arith.index_cast %add3A_302 : i32 to index
    %get3A_309 = arith.constant 0 : index
    %get3A_310 = arith.constant 0 : index
    %get3A_311 = vector.load %arg10[%get3A_308, %get3A_309, %get3A_310] : memref<32x1x1024xf32, #tpu.memory_space<vmem>>, vector<1x1x1024xf32>
    %get3A_312 = vector.shape_cast %get3A_311 : vector<1x1x1024xf32> to vector<1x1024xf32>
    %eq3A_313 = vector.broadcast %add3A_302 : i32 to vector<1024x32xi32>
    %eq3A_314 = arith.cmpi eq, %iota3A, %eq3A_313 : vector<1024x32xi32>
    %jit3A_315 = arith.constant 0.000000e+00 : f32
    %broadcast_in_dim3A_316 = vector.broadcast %jit3A_315 : f32 to vector<1024x32xf32>
    %select_n3A_317 = arith.select %eq3A_314, %get3A_3, %broadcast_in_dim3A_316 : vector<1024x32xi1>, vector<1024x32xf32>
    %reduce_sum3A_318 = arith.constant dense<0.000000e+00> : vector<1024xf32>
    %reduce_sum3A_319 = vector.multi_reduction <add>, %select_n3A_317, %reduce_sum3A_318 [1] : vector<1024x32xf32> to vector<1024xf32>
    %broadcast_in_dim3A_320 = vector.shape_cast %reduce_sum3A_319 : vector<1024xf32> to vector<1024x1xf32>
    %jit3A_321 = arith.constant 0.000000e+00 : f32
    %broadcast_in_dim3A_322 = vector.broadcast %jit3A_321 : f32 to vector<1024x32xf32>
    %select_n3A_323 = arith.select %eq3A_314, %get3A_6, %broadcast_in_dim3A_322 : vector<1024x32xi1>, vector<1024x32xf32>
    %reduce_sum3A_324 = arith.constant dense<0.000000e+00> : vector<1024xf32>
    %reduce_sum3A_325 = vector.multi_reduction <add>, %select_n3A_323, %reduce_sum3A_324 [1] : vector<1024x32xf32> to vector<1024xf32>
    %broadcast_in_dim3A_326 = vector.shape_cast %reduce_sum3A_325 : vector<1024xf32> to vector<1024x1xf32>
    %min3A_327 = vector.broadcast %get3A_307 : vector<1x1024xf32> to vector<1024x1024xf32>
    %min3A_328 = vector.broadcast %broadcast_in_dim3A_320 : vector<1024x1xf32> to vector<1024x1024xf32>
    %min3A_329 = arith.minimumf %min3A_327, %min3A_328 : vector<1024x1024xf32>
    %min3A_330 = vector.broadcast %get3A_312 : vector<1x1024xf32> to vector<1024x1024xf32>
    %min3A_331 = vector.broadcast %broadcast_in_dim3A_326 : vector<1024x1xf32> to vector<1024x1024xf32>
    %min3A_332 = arith.minimumf %min3A_330, %min3A_331 : vector<1024x1024xf32>
    %mul3A_333 = arith.mulf %min3A_329, %min3A_332 : vector<1024x1024xf32>
    %le3A_334 = arith.constant 0.006737947 : f32
    %le3A_335 = vector.broadcast %le3A_334 : f32 to vector<1024x1024xf32>
    %le3A_336 = arith.cmpf ole, %mul3A_333, %le3A_335 : vector<1024x1024xf32>
    %add3A_337 = arith.constant 1.000000e+00 : f32
    %add3A_338 = vector.broadcast %add3A_337 : f32 to vector<1024x1024xf32>
    %add3A_339 = arith.addf %add3A_338, %mul3A_333 : vector<1024x1024xf32>
    %log3A_340 = math.log %add3A_339 : vector<1024x1024xf32>
    %select_n3A_341 = arith.select %le3A_336, %mul3A_333, %log3A_340 : vector<1024x1024xi1>, vector<1024x1024xf32>
    %mul3A_342 = arith.constant 16 : i32
    %mul3A_343 = arith.muli %arg0, %mul3A_342 : i32
    %add3A_344 = arith.constant 8 : i32
    %add3A_345 = arith.addi %mul3A_343, %add3A_344 : i32
    %get3A_346 = arith.index_cast %add3A_345 : i32 to index
    %get3A_347 = arith.constant 0 : index
    %get3A_348 = arith.constant 0 : index
    %get3A_349 = vector.load %arg9[%get3A_346, %get3A_347, %get3A_348] : memref<32x1x1024xf32, #tpu.memory_space<vmem>>, vector<1x1x1024xf32>
    %get3A_350 = vector.shape_cast %get3A_349 : vector<1x1x1024xf32> to vector<1x1024xf32>
    %get3A_351 = arith.index_cast %add3A_345 : i32 to index
    %get3A_352 = arith.constant 0 : index
    %get3A_353 = arith.constant 0 : index
    %get3A_354 = vector.load %arg10[%get3A_351, %get3A_352, %get3A_353] : memref<32x1x1024xf32, #tpu.memory_space<vmem>>, vector<1x1x1024xf32>
    %get3A_355 = vector.shape_cast %get3A_354 : vector<1x1x1024xf32> to vector<1x1024xf32>
    %eq3A_356 = vector.broadcast %add3A_345 : i32 to vector<1024x32xi32>
    %eq3A_357 = arith.cmpi eq, %iota3A, %eq3A_356 : vector<1024x32xi32>
    %jit3A_358 = arith.constant 0.000000e+00 : f32
    %broadcast_in_dim3A_359 = vector.broadcast %jit3A_358 : f32 to vector<1024x32xf32>
    %select_n3A_360 = arith.select %eq3A_357, %get3A_3, %broadcast_in_dim3A_359 : vector<1024x32xi1>, vector<1024x32xf32>
    %reduce_sum3A_361 = arith.constant dense<0.000000e+00> : vector<1024xf32>
    %reduce_sum3A_362 = vector.multi_reduction <add>, %select_n3A_360, %reduce_sum3A_361 [1] : vector<1024x32xf32> to vector<1024xf32>
    %broadcast_in_dim3A_363 = vector.shape_cast %reduce_sum3A_362 : vector<1024xf32> to vector<1024x1xf32>
    %jit3A_364 = arith.constant 0.000000e+00 : f32
    %broadcast_in_dim3A_365 = vector.broadcast %jit3A_364 : f32 to vector<1024x32xf32>
    %select_n3A_366 = arith.select %eq3A_357, %get3A_6, %broadcast_in_dim3A_365 : vector<1024x32xi1>, vector<1024x32xf32>
    %reduce_sum3A_367 = arith.constant dense<0.000000e+00> : vector<1024xf32>
    %reduce_sum3A_368 = vector.multi_reduction <add>, %select_n3A_366, %reduce_sum3A_367 [1] : vector<1024x32xf32> to vector<1024xf32>
    %broadcast_in_dim3A_369 = vector.shape_cast %reduce_sum3A_368 : vector<1024xf32> to vector<1024x1xf32>
    %min3A_370 = vector.broadcast %get3A_350 : vector<1x1024xf32> to vector<1024x1024xf32>
    %min3A_371 = vector.broadcast %broadcast_in_dim3A_363 : vector<1024x1xf32> to vector<1024x1024xf32>
    %min3A_372 = arith.minimumf %min3A_370, %min3A_371 : vector<1024x1024xf32>
    %min3A_373 = vector.broadcast %get3A_355 : vector<1x1024xf32> to vector<1024x1024xf32>
    %min3A_374 = vector.broadcast %broadcast_in_dim3A_369 : vector<1024x1xf32> to vector<1024x1024xf32>
    %min3A_375 = arith.minimumf %min3A_373, %min3A_374 : vector<1024x1024xf32>
    %mul3A_376 = arith.mulf %min3A_372, %min3A_375 : vector<1024x1024xf32>
    %le3A_377 = arith.constant 0.006737947 : f32
    %le3A_378 = vector.broadcast %le3A_377 : f32 to vector<1024x1024xf32>
    %le3A_379 = arith.cmpf ole, %mul3A_376, %le3A_378 : vector<1024x1024xf32>
    %add3A_380 = arith.constant 1.000000e+00 : f32
    %add3A_381 = vector.broadcast %add3A_380 : f32 to vector<1024x1024xf32>
    %add3A_382 = arith.addf %add3A_381, %mul3A_376 : vector<1024x1024xf32>
    %log3A_383 = math.log %add3A_382 : vector<1024x1024xf32>
    %select_n3A_384 = arith.select %le3A_379, %mul3A_376, %log3A_383 : vector<1024x1024xi1>, vector<1024x1024xf32>
    %mul3A_385 = arith.constant 16 : i32
    %mul3A_386 = arith.muli %arg0, %mul3A_385 : i32
    %add3A_387 = arith.constant 9 : i32
    %add3A_388 = arith.addi %mul3A_386, %add3A_387 : i32
    %get3A_389 = arith.index_cast %add3A_388 : i32 to index
    %get3A_390 = arith.constant 0 : index
    %get3A_391 = arith.constant 0 : index
    %get3A_392 = vector.load %arg9[%get3A_389, %get3A_390, %get3A_391] : memref<32x1x1024xf32, #tpu.memory_space<vmem>>, vector<1x1x1024xf32>
    %get3A_393 = vector.shape_cast %get3A_392 : vector<1x1x1024xf32> to vector<1x1024xf32>
    %get3A_394 = arith.index_cast %add3A_388 : i32 to index
    %get3A_395 = arith.constant 0 : index
    %get3A_396 = arith.constant 0 : index
    %get3A_397 = vector.load %arg10[%get3A_394, %get3A_395, %get3A_396] : memref<32x1x1024xf32, #tpu.memory_space<vmem>>, vector<1x1x1024xf32>
    %get3A_398 = vector.shape_cast %get3A_397 : vector<1x1x1024xf32> to vector<1x1024xf32>
    %eq3A_399 = vector.broadcast %add3A_388 : i32 to vector<1024x32xi32>
    %eq3A_400 = arith.cmpi eq, %iota3A, %eq3A_399 : vector<1024x32xi32>
    %jit3A_401 = arith.constant 0.000000e+00 : f32
    %broadcast_in_dim3A_402 = vector.broadcast %jit3A_401 : f32 to vector<1024x32xf32>
    %select_n3A_403 = arith.select %eq3A_400, %get3A_3, %broadcast_in_dim3A_402 : vector<1024x32xi1>, vector<1024x32xf32>
    %reduce_sum3A_404 = arith.constant dense<0.000000e+00> : vector<1024xf32>
    %reduce_sum3A_405 = vector.multi_reduction <add>, %select_n3A_403, %reduce_sum3A_404 [1] : vector<1024x32xf32> to vector<1024xf32>
    %broadcast_in_dim3A_406 = vector.shape_cast %reduce_sum3A_405 : vector<1024xf32> to vector<1024x1xf32>
    %jit3A_407 = arith.constant 0.000000e+00 : f32
    %broadcast_in_dim3A_408 = vector.broadcast %jit3A_407 : f32 to vector<1024x32xf32>
    %select_n3A_409 = arith.select %eq3A_400, %get3A_6, %broadcast_in_dim3A_408 : vector<1024x32xi1>, vector<1024x32xf32>
    %reduce_sum3A_410 = arith.constant dense<0.000000e+00> : vector<1024xf32>
    %reduce_sum3A_411 = vector.multi_reduction <add>, %select_n3A_409, %reduce_sum3A_410 [1] : vector<1024x32xf32> to vector<1024xf32>
    %broadcast_in_dim3A_412 = vector.shape_cast %reduce_sum3A_411 : vector<1024xf32> to vector<1024x1xf32>
    %min3A_413 = vector.broadcast %get3A_393 : vector<1x1024xf32> to vector<1024x1024xf32>
    %min3A_414 = vector.broadcast %broadcast_in_dim3A_406 : vector<1024x1xf32> to vector<1024x1024xf32>
    %min3A_415 = arith.minimumf %min3A_413, %min3A_414 : vector<1024x1024xf32>
    %min3A_416 = vector.broadcast %get3A_398 : vector<1x1024xf32> to vector<1024x1024xf32>
    %min3A_417 = vector.broadcast %broadcast_in_dim3A_412 : vector<1024x1xf32> to vector<1024x1024xf32>
    %min3A_418 = arith.minimumf %min3A_416, %min3A_417 : vector<1024x1024xf32>
    %mul3A_419 = arith.mulf %min3A_415, %min3A_418 : vector<1024x1024xf32>
    %le3A_420 = arith.constant 0.006737947 : f32
    %le3A_421 = vector.broadcast %le3A_420 : f32 to vector<1024x1024xf32>
    %le3A_422 = arith.cmpf ole, %mul3A_419, %le3A_421 : vector<1024x1024xf32>
    %add3A_423 = arith.constant 1.000000e+00 : f32
    %add3A_424 = vector.broadcast %add3A_423 : f32 to vector<1024x1024xf32>
    %add3A_425 = arith.addf %add3A_424, %mul3A_419 : vector<1024x1024xf32>
    %log3A_426 = math.log %add3A_425 : vector<1024x1024xf32>
    %select_n3A_427 = arith.select %le3A_422, %mul3A_419, %log3A_426 : vector<1024x1024xi1>, vector<1024x1024xf32>
    %mul3A_428 = arith.constant 16 : i32
    %mul3A_429 = arith.muli %arg0, %mul3A_428 : i32
    %add3A_430 = arith.constant 10 : i32
    %add3A_431 = arith.addi %mul3A_429, %add3A_430 : i32
    %get3A_432 = arith.index_cast %add3A_431 : i32 to index
    %get3A_433 = arith.constant 0 : index
    %get3A_434 = arith.constant 0 : index
    %get3A_435 = vector.load %arg9[%get3A_432, %get3A_433, %get3A_434] : memref<32x1x1024xf32, #tpu.memory_space<vmem>>, vector<1x1x1024xf32>
    %get3A_436 = vector.shape_cast %get3A_435 : vector<1x1x1024xf32> to vector<1x1024xf32>
    %get3A_437 = arith.index_cast %add3A_431 : i32 to index
    %get3A_438 = arith.constant 0 : index
    %get3A_439 = arith.constant 0 : index
    %get3A_440 = vector.load %arg10[%get3A_437, %get3A_438, %get3A_439] : memref<32x1x1024xf32, #tpu.memory_space<vmem>>, vector<1x1x1024xf32>
    %get3A_441 = vector.shape_cast %get3A_440 : vector<1x1x1024xf32> to vector<1x1024xf32>
    %eq3A_442 = vector.broadcast %add3A_431 : i32 to vector<1024x32xi32>
    %eq3A_443 = arith.cmpi eq, %iota3A, %eq3A_442 : vector<1024x32xi32>
    %jit3A_444 = arith.constant 0.000000e+00 : f32
    %broadcast_in_dim3A_445 = vector.broadcast %jit3A_444 : f32 to vector<1024x32xf32>
    %select_n3A_446 = arith.select %eq3A_443, %get3A_3, %broadcast_in_dim3A_445 : vector<1024x32xi1>, vector<1024x32xf32>
    %reduce_sum3A_447 = arith.constant dense<0.000000e+00> : vector<1024xf32>
    %reduce_sum3A_448 = vector.multi_reduction <add>, %select_n3A_446, %reduce_sum3A_447 [1] : vector<1024x32xf32> to vector<1024xf32>
    %broadcast_in_dim3A_449 = vector.shape_cast %reduce_sum3A_448 : vector<1024xf32> to vector<1024x1xf32>
    %jit3A_450 = arith.constant 0.000000e+00 : f32
    %broadcast_in_dim3A_451 = vector.broadcast %jit3A_450 : f32 to vector<1024x32xf32>
    %select_n3A_452 = arith.select %eq3A_443, %get3A_6, %broadcast_in_dim3A_451 : vector<1024x32xi1>, vector<1024x32xf32>
    %reduce_sum3A_453 = arith.constant dense<0.000000e+00> : vector<1024xf32>
    %reduce_sum3A_454 = vector.multi_reduction <add>, %select_n3A_452, %reduce_sum3A_453 [1] : vector<1024x32xf32> to vector<1024xf32>
    %broadcast_in_dim3A_455 = vector.shape_cast %reduce_sum3A_454 : vector<1024xf32> to vector<1024x1xf32>
    %min3A_456 = vector.broadcast %get3A_436 : vector<1x1024xf32> to vector<1024x1024xf32>
    %min3A_457 = vector.broadcast %broadcast_in_dim3A_449 : vector<1024x1xf32> to vector<1024x1024xf32>
    %min3A_458 = arith.minimumf %min3A_456, %min3A_457 : vector<1024x1024xf32>
    %min3A_459 = vector.broadcast %get3A_441 : vector<1x1024xf32> to vector<1024x1024xf32>
    %min3A_460 = vector.broadcast %broadcast_in_dim3A_455 : vector<1024x1xf32> to vector<1024x1024xf32>
    %min3A_461 = arith.minimumf %min3A_459, %min3A_460 : vector<1024x1024xf32>
    %mul3A_462 = arith.mulf %min3A_458, %min3A_461 : vector<1024x1024xf32>
    %le3A_463 = arith.constant 0.006737947 : f32
    %le3A_464 = vector.broadcast %le3A_463 : f32 to vector<1024x1024xf32>
    %le3A_465 = arith.cmpf ole, %mul3A_462, %le3A_464 : vector<1024x1024xf32>
    %add3A_466 = arith.constant 1.000000e+00 : f32
    %add3A_467 = vector.broadcast %add3A_466 : f32 to vector<1024x1024xf32>
    %add3A_468 = arith.addf %add3A_467, %mul3A_462 : vector<1024x1024xf32>
    %log3A_469 = math.log %add3A_468 : vector<1024x1024xf32>
    %select_n3A_470 = arith.select %le3A_465, %mul3A_462, %log3A_469 : vector<1024x1024xi1>, vector<1024x1024xf32>
    %mul3A_471 = arith.constant 16 : i32
    %mul3A_472 = arith.muli %arg0, %mul3A_471 : i32
    %add3A_473 = arith.constant 11 : i32
    %add3A_474 = arith.addi %mul3A_472, %add3A_473 : i32
    %get3A_475 = arith.index_cast %add3A_474 : i32 to index
    %get3A_476 = arith.constant 0 : index
    %get3A_477 = arith.constant 0 : index
    %get3A_478 = vector.load %arg9[%get3A_475, %get3A_476, %get3A_477] : memref<32x1x1024xf32, #tpu.memory_space<vmem>>, vector<1x1x1024xf32>
    %get3A_479 = vector.shape_cast %get3A_478 : vector<1x1x1024xf32> to vector<1x1024xf32>
    %get3A_480 = arith.index_cast %add3A_474 : i32 to index
    %get3A_481 = arith.constant 0 : index
    %get3A_482 = arith.constant 0 : index
    %get3A_483 = vector.load %arg10[%get3A_480, %get3A_481, %get3A_482] : memref<32x1x1024xf32, #tpu.memory_space<vmem>>, vector<1x1x1024xf32>
    %get3A_484 = vector.shape_cast %get3A_483 : vector<1x1x1024xf32> to vector<1x1024xf32>
    %eq3A_485 = vector.broadcast %add3A_474 : i32 to vector<1024x32xi32>
    %eq3A_486 = arith.cmpi eq, %iota3A, %eq3A_485 : vector<1024x32xi32>
    %jit3A_487 = arith.constant 0.000000e+00 : f32
    %broadcast_in_dim3A_488 = vector.broadcast %jit3A_487 : f32 to vector<1024x32xf32>
    %select_n3A_489 = arith.select %eq3A_486, %get3A_3, %broadcast_in_dim3A_488 : vector<1024x32xi1>, vector<1024x32xf32>
    %reduce_sum3A_490 = arith.constant dense<0.000000e+00> : vector<1024xf32>
    %reduce_sum3A_491 = vector.multi_reduction <add>, %select_n3A_489, %reduce_sum3A_490 [1] : vector<1024x32xf32> to vector<1024xf32>
    %broadcast_in_dim3A_492 = vector.shape_cast %reduce_sum3A_491 : vector<1024xf32> to vector<1024x1xf32>
    %jit3A_493 = arith.constant 0.000000e+00 : f32
    %broadcast_in_dim3A_494 = vector.broadcast %jit3A_493 : f32 to vector<1024x32xf32>
    %select_n3A_495 = arith.select %eq3A_486, %get3A_6, %broadcast_in_dim3A_494 : vector<1024x32xi1>, vector<1024x32xf32>
    %reduce_sum3A_496 = arith.constant dense<0.000000e+00> : vector<1024xf32>
    %reduce_sum3A_497 = vector.multi_reduction <add>, %select_n3A_495, %reduce_sum3A_496 [1] : vector<1024x32xf32> to vector<1024xf32>
    %broadcast_in_dim3A_498 = vector.shape_cast %reduce_sum3A_497 : vector<1024xf32> to vector<1024x1xf32>
    %min3A_499 = vector.broadcast %get3A_479 : vector<1x1024xf32> to vector<1024x1024xf32>
    %min3A_500 = vector.broadcast %broadcast_in_dim3A_492 : vector<1024x1xf32> to vector<1024x1024xf32>
    %min3A_501 = arith.minimumf %min3A_499, %min3A_500 : vector<1024x1024xf32>
    %min3A_502 = vector.broadcast %get3A_484 : vector<1x1024xf32> to vector<1024x1024xf32>
    %min3A_503 = vector.broadcast %broadcast_in_dim3A_498 : vector<1024x1xf32> to vector<1024x1024xf32>
    %min3A_504 = arith.minimumf %min3A_502, %min3A_503 : vector<1024x1024xf32>
    %mul3A_505 = arith.mulf %min3A_501, %min3A_504 : vector<1024x1024xf32>
    %le3A_506 = arith.constant 0.006737947 : f32
    %le3A_507 = vector.broadcast %le3A_506 : f32 to vector<1024x1024xf32>
    %le3A_508 = arith.cmpf ole, %mul3A_505, %le3A_507 : vector<1024x1024xf32>
    %add3A_509 = arith.constant 1.000000e+00 : f32
    %add3A_510 = vector.broadcast %add3A_509 : f32 to vector<1024x1024xf32>
    %add3A_511 = arith.addf %add3A_510, %mul3A_505 : vector<1024x1024xf32>
    %log3A_512 = math.log %add3A_511 : vector<1024x1024xf32>
    %select_n3A_513 = arith.select %le3A_508, %mul3A_505, %log3A_512 : vector<1024x1024xi1>, vector<1024x1024xf32>
    %mul3A_514 = arith.constant 16 : i32
    %mul3A_515 = arith.muli %arg0, %mul3A_514 : i32
    %add3A_516 = arith.constant 12 : i32
    %add3A_517 = arith.addi %mul3A_515, %add3A_516 : i32
    %get3A_518 = arith.index_cast %add3A_517 : i32 to index
    %get3A_519 = arith.constant 0 : index
    %get3A_520 = arith.constant 0 : index
    %get3A_521 = vector.load %arg9[%get3A_518, %get3A_519, %get3A_520] : memref<32x1x1024xf32, #tpu.memory_space<vmem>>, vector<1x1x1024xf32>
    %get3A_522 = vector.shape_cast %get3A_521 : vector<1x1x1024xf32> to vector<1x1024xf32>
    %get3A_523 = arith.index_cast %add3A_517 : i32 to index
    %get3A_524 = arith.constant 0 : index
    %get3A_525 = arith.constant 0 : index
    %get3A_526 = vector.load %arg10[%get3A_523, %get3A_524, %get3A_525] : memref<32x1x1024xf32, #tpu.memory_space<vmem>>, vector<1x1x1024xf32>
    %get3A_527 = vector.shape_cast %get3A_526 : vector<1x1x1024xf32> to vector<1x1024xf32>
    %eq3A_528 = vector.broadcast %add3A_517 : i32 to vector<1024x32xi32>
    %eq3A_529 = arith.cmpi eq, %iota3A, %eq3A_528 : vector<1024x32xi32>
    %jit3A_530 = arith.constant 0.000000e+00 : f32
    %broadcast_in_dim3A_531 = vector.broadcast %jit3A_530 : f32 to vector<1024x32xf32>
    %select_n3A_532 = arith.select %eq3A_529, %get3A_3, %broadcast_in_dim3A_531 : vector<1024x32xi1>, vector<1024x32xf32>
    %reduce_sum3A_533 = arith.constant dense<0.000000e+00> : vector<1024xf32>
    %reduce_sum3A_534 = vector.multi_reduction <add>, %select_n3A_532, %reduce_sum3A_533 [1] : vector<1024x32xf32> to vector<1024xf32>
    %broadcast_in_dim3A_535 = vector.shape_cast %reduce_sum3A_534 : vector<1024xf32> to vector<1024x1xf32>
    %jit3A_536 = arith.constant 0.000000e+00 : f32
    %broadcast_in_dim3A_537 = vector.broadcast %jit3A_536 : f32 to vector<1024x32xf32>
    %select_n3A_538 = arith.select %eq3A_529, %get3A_6, %broadcast_in_dim3A_537 : vector<1024x32xi1>, vector<1024x32xf32>
    %reduce_sum3A_539 = arith.constant dense<0.000000e+00> : vector<1024xf32>
    %reduce_sum3A_540 = vector.multi_reduction <add>, %select_n3A_538, %reduce_sum3A_539 [1] : vector<1024x32xf32> to vector<1024xf32>
    %broadcast_in_dim3A_541 = vector.shape_cast %reduce_sum3A_540 : vector<1024xf32> to vector<1024x1xf32>
    %min3A_542 = vector.broadcast %get3A_522 : vector<1x1024xf32> to vector<1024x1024xf32>
    %min3A_543 = vector.broadcast %broadcast_in_dim3A_535 : vector<1024x1xf32> to vector<1024x1024xf32>
    %min3A_544 = arith.minimumf %min3A_542, %min3A_543 : vector<1024x1024xf32>
    %min3A_545 = vector.broadcast %get3A_527 : vector<1x1024xf32> to vector<1024x1024xf32>
    %min3A_546 = vector.broadcast %broadcast_in_dim3A_541 : vector<1024x1xf32> to vector<1024x1024xf32>
    %min3A_547 = arith.minimumf %min3A_545, %min3A_546 : vector<1024x1024xf32>
    %mul3A_548 = arith.mulf %min3A_544, %min3A_547 : vector<1024x1024xf32>
    %le3A_549 = arith.constant 0.006737947 : f32
    %le3A_550 = vector.broadcast %le3A_549 : f32 to vector<1024x1024xf32>
    %le3A_551 = arith.cmpf ole, %mul3A_548, %le3A_550 : vector<1024x1024xf32>
    %add3A_552 = arith.constant 1.000000e+00 : f32
    %add3A_553 = vector.broadcast %add3A_552 : f32 to vector<1024x1024xf32>
    %add3A_554 = arith.addf %add3A_553, %mul3A_548 : vector<1024x1024xf32>
    %log3A_555 = math.log %add3A_554 : vector<1024x1024xf32>
    %select_n3A_556 = arith.select %le3A_551, %mul3A_548, %log3A_555 : vector<1024x1024xi1>, vector<1024x1024xf32>
    %mul3A_557 = arith.constant 16 : i32
    %mul3A_558 = arith.muli %arg0, %mul3A_557 : i32
    %add3A_559 = arith.constant 13 : i32
    %add3A_560 = arith.addi %mul3A_558, %add3A_559 : i32
    %get3A_561 = arith.index_cast %add3A_560 : i32 to index
    %get3A_562 = arith.constant 0 : index
    %get3A_563 = arith.constant 0 : index
    %get3A_564 = vector.load %arg9[%get3A_561, %get3A_562, %get3A_563] : memref<32x1x1024xf32, #tpu.memory_space<vmem>>, vector<1x1x1024xf32>
    %get3A_565 = vector.shape_cast %get3A_564 : vector<1x1x1024xf32> to vector<1x1024xf32>
    %get3A_566 = arith.index_cast %add3A_560 : i32 to index
    %get3A_567 = arith.constant 0 : index
    %get3A_568 = arith.constant 0 : index
    %get3A_569 = vector.load %arg10[%get3A_566, %get3A_567, %get3A_568] : memref<32x1x1024xf32, #tpu.memory_space<vmem>>, vector<1x1x1024xf32>
    %get3A_570 = vector.shape_cast %get3A_569 : vector<1x1x1024xf32> to vector<1x1024xf32>
    %eq3A_571 = vector.broadcast %add3A_560 : i32 to vector<1024x32xi32>
    %eq3A_572 = arith.cmpi eq, %iota3A, %eq3A_571 : vector<1024x32xi32>
    %jit3A_573 = arith.constant 0.000000e+00 : f32
    %broadcast_in_dim3A_574 = vector.broadcast %jit3A_573 : f32 to vector<1024x32xf32>
    %select_n3A_575 = arith.select %eq3A_572, %get3A_3, %broadcast_in_dim3A_574 : vector<1024x32xi1>, vector<1024x32xf32>
    %reduce_sum3A_576 = arith.constant dense<0.000000e+00> : vector<1024xf32>
    %reduce_sum3A_577 = vector.multi_reduction <add>, %select_n3A_575, %reduce_sum3A_576 [1] : vector<1024x32xf32> to vector<1024xf32>
    %broadcast_in_dim3A_578 = vector.shape_cast %reduce_sum3A_577 : vector<1024xf32> to vector<1024x1xf32>
    %jit3A_579 = arith.constant 0.000000e+00 : f32
    %broadcast_in_dim3A_580 = vector.broadcast %jit3A_579 : f32 to vector<1024x32xf32>
    %select_n3A_581 = arith.select %eq3A_572, %get3A_6, %broadcast_in_dim3A_580 : vector<1024x32xi1>, vector<1024x32xf32>
    %reduce_sum3A_582 = arith.constant dense<0.000000e+00> : vector<1024xf32>
    %reduce_sum3A_583 = vector.multi_reduction <add>, %select_n3A_581, %reduce_sum3A_582 [1] : vector<1024x32xf32> to vector<1024xf32>
    %broadcast_in_dim3A_584 = vector.shape_cast %reduce_sum3A_583 : vector<1024xf32> to vector<1024x1xf32>
    %min3A_585 = vector.broadcast %get3A_565 : vector<1x1024xf32> to vector<1024x1024xf32>
    %min3A_586 = vector.broadcast %broadcast_in_dim3A_578 : vector<1024x1xf32> to vector<1024x1024xf32>
    %min3A_587 = arith.minimumf %min3A_585, %min3A_586 : vector<1024x1024xf32>
    %min3A_588 = vector.broadcast %get3A_570 : vector<1x1024xf32> to vector<1024x1024xf32>
    %min3A_589 = vector.broadcast %broadcast_in_dim3A_584 : vector<1024x1xf32> to vector<1024x1024xf32>
    %min3A_590 = arith.minimumf %min3A_588, %min3A_589 : vector<1024x1024xf32>
    %mul3A_591 = arith.mulf %min3A_587, %min3A_590 : vector<1024x1024xf32>
    %le3A_592 = arith.constant 0.006737947 : f32
    %le3A_593 = vector.broadcast %le3A_592 : f32 to vector<1024x1024xf32>
    %le3A_594 = arith.cmpf ole, %mul3A_591, %le3A_593 : vector<1024x1024xf32>
    %add3A_595 = arith.constant 1.000000e+00 : f32
    %add3A_596 = vector.broadcast %add3A_595 : f32 to vector<1024x1024xf32>
    %add3A_597 = arith.addf %add3A_596, %mul3A_591 : vector<1024x1024xf32>
    %log3A_598 = math.log %add3A_597 : vector<1024x1024xf32>
    %select_n3A_599 = arith.select %le3A_594, %mul3A_591, %log3A_598 : vector<1024x1024xi1>, vector<1024x1024xf32>
    %mul3A_600 = arith.constant 16 : i32
    %mul3A_601 = arith.muli %arg0, %mul3A_600 : i32
    %add3A_602 = arith.constant 14 : i32
    %add3A_603 = arith.addi %mul3A_601, %add3A_602 : i32
    %get3A_604 = arith.index_cast %add3A_603 : i32 to index
    %get3A_605 = arith.constant 0 : index
    %get3A_606 = arith.constant 0 : index
    %get3A_607 = vector.load %arg9[%get3A_604, %get3A_605, %get3A_606] : memref<32x1x1024xf32, #tpu.memory_space<vmem>>, vector<1x1x1024xf32>
    %get3A_608 = vector.shape_cast %get3A_607 : vector<1x1x1024xf32> to vector<1x1024xf32>
    %get3A_609 = arith.index_cast %add3A_603 : i32 to index
    %get3A_610 = arith.constant 0 : index
    %get3A_611 = arith.constant 0 : index
    %get3A_612 = vector.load %arg10[%get3A_609, %get3A_610, %get3A_611] : memref<32x1x1024xf32, #tpu.memory_space<vmem>>, vector<1x1x1024xf32>
    %get3A_613 = vector.shape_cast %get3A_612 : vector<1x1x1024xf32> to vector<1x1024xf32>
    %eq3A_614 = vector.broadcast %add3A_603 : i32 to vector<1024x32xi32>
    %eq3A_615 = arith.cmpi eq, %iota3A, %eq3A_614 : vector<1024x32xi32>
    %jit3A_616 = arith.constant 0.000000e+00 : f32
    %broadcast_in_dim3A_617 = vector.broadcast %jit3A_616 : f32 to vector<1024x32xf32>
    %select_n3A_618 = arith.select %eq3A_615, %get3A_3, %broadcast_in_dim3A_617 : vector<1024x32xi1>, vector<1024x32xf32>
    %reduce_sum3A_619 = arith.constant dense<0.000000e+00> : vector<1024xf32>
    %reduce_sum3A_620 = vector.multi_reduction <add>, %select_n3A_618, %reduce_sum3A_619 [1] : vector<1024x32xf32> to vector<1024xf32>
    %broadcast_in_dim3A_621 = vector.shape_cast %reduce_sum3A_620 : vector<1024xf32> to vector<1024x1xf32>
    %jit3A_622 = arith.constant 0.000000e+00 : f32
    %broadcast_in_dim3A_623 = vector.broadcast %jit3A_622 : f32 to vector<1024x32xf32>
    %select_n3A_624 = arith.select %eq3A_615, %get3A_6, %broadcast_in_dim3A_623 : vector<1024x32xi1>, vector<1024x32xf32>
    %reduce_sum3A_625 = arith.constant dense<0.000000e+00> : vector<1024xf32>
    %reduce_sum3A_626 = vector.multi_reduction <add>, %select_n3A_624, %reduce_sum3A_625 [1] : vector<1024x32xf32> to vector<1024xf32>
    %broadcast_in_dim3A_627 = vector.shape_cast %reduce_sum3A_626 : vector<1024xf32> to vector<1024x1xf32>
    %min3A_628 = vector.broadcast %get3A_608 : vector<1x1024xf32> to vector<1024x1024xf32>
    %min3A_629 = vector.broadcast %broadcast_in_dim3A_621 : vector<1024x1xf32> to vector<1024x1024xf32>
    %min3A_630 = arith.minimumf %min3A_628, %min3A_629 : vector<1024x1024xf32>
    %min3A_631 = vector.broadcast %get3A_613 : vector<1x1024xf32> to vector<1024x1024xf32>
    %min3A_632 = vector.broadcast %broadcast_in_dim3A_627 : vector<1024x1xf32> to vector<1024x1024xf32>
    %min3A_633 = arith.minimumf %min3A_631, %min3A_632 : vector<1024x1024xf32>
    %mul3A_634 = arith.mulf %min3A_630, %min3A_633 : vector<1024x1024xf32>
    %le3A_635 = arith.constant 0.006737947 : f32
    %le3A_636 = vector.broadcast %le3A_635 : f32 to vector<1024x1024xf32>
    %le3A_637 = arith.cmpf ole, %mul3A_634, %le3A_636 : vector<1024x1024xf32>
    %add3A_638 = arith.constant 1.000000e+00 : f32
    %add3A_639 = vector.broadcast %add3A_638 : f32 to vector<1024x1024xf32>
    %add3A_640 = arith.addf %add3A_639, %mul3A_634 : vector<1024x1024xf32>
    %log3A_641 = math.log %add3A_640 : vector<1024x1024xf32>
    %select_n3A_642 = arith.select %le3A_637, %mul3A_634, %log3A_641 : vector<1024x1024xi1>, vector<1024x1024xf32>
    %mul3A_643 = arith.constant 16 : i32
    %mul3A_644 = arith.muli %arg0, %mul3A_643 : i32
    %add3A_645 = arith.constant 15 : i32
    %add3A_646 = arith.addi %mul3A_644, %add3A_645 : i32
    %get3A_647 = arith.index_cast %add3A_646 : i32 to index
    %get3A_648 = arith.constant 0 : index
    %get3A_649 = arith.constant 0 : index
    %get3A_650 = vector.load %arg9[%get3A_647, %get3A_648, %get3A_649] : memref<32x1x1024xf32, #tpu.memory_space<vmem>>, vector<1x1x1024xf32>
    %get3A_651 = vector.shape_cast %get3A_650 : vector<1x1x1024xf32> to vector<1x1024xf32>
    %get3A_652 = arith.index_cast %add3A_646 : i32 to index
    %get3A_653 = arith.constant 0 : index
    %get3A_654 = arith.constant 0 : index
    %get3A_655 = vector.load %arg10[%get3A_652, %get3A_653, %get3A_654] : memref<32x1x1024xf32, #tpu.memory_space<vmem>>, vector<1x1x1024xf32>
    %get3A_656 = vector.shape_cast %get3A_655 : vector<1x1x1024xf32> to vector<1x1024xf32>
    %eq3A_657 = vector.broadcast %add3A_646 : i32 to vector<1024x32xi32>
    %eq3A_658 = arith.cmpi eq, %iota3A, %eq3A_657 : vector<1024x32xi32>
    %jit3A_659 = arith.constant 0.000000e+00 : f32
    %broadcast_in_dim3A_660 = vector.broadcast %jit3A_659 : f32 to vector<1024x32xf32>
    %select_n3A_661 = arith.select %eq3A_658, %get3A_3, %broadcast_in_dim3A_660 : vector<1024x32xi1>, vector<1024x32xf32>
    %reduce_sum3A_662 = arith.constant dense<0.000000e+00> : vector<1024xf32>
    %reduce_sum3A_663 = vector.multi_reduction <add>, %select_n3A_661, %reduce_sum3A_662 [1] : vector<1024x32xf32> to vector<1024xf32>
    %broadcast_in_dim3A_664 = vector.shape_cast %reduce_sum3A_663 : vector<1024xf32> to vector<1024x1xf32>
    %jit3A_665 = arith.constant 0.000000e+00 : f32
    %broadcast_in_dim3A_666 = vector.broadcast %jit3A_665 : f32 to vector<1024x32xf32>
    %select_n3A_667 = arith.select %eq3A_658, %get3A_6, %broadcast_in_dim3A_666 : vector<1024x32xi1>, vector<1024x32xf32>
    %reduce_sum3A_668 = arith.constant dense<0.000000e+00> : vector<1024xf32>
    %reduce_sum3A_669 = vector.multi_reduction <add>, %select_n3A_667, %reduce_sum3A_668 [1] : vector<1024x32xf32> to vector<1024xf32>
    %broadcast_in_dim3A_670 = vector.shape_cast %reduce_sum3A_669 : vector<1024xf32> to vector<1024x1xf32>
    %min3A_671 = vector.broadcast %get3A_651 : vector<1x1024xf32> to vector<1024x1024xf32>
    %min3A_672 = vector.broadcast %broadcast_in_dim3A_664 : vector<1024x1xf32> to vector<1024x1024xf32>
    %min3A_673 = arith.minimumf %min3A_671, %min3A_672 : vector<1024x1024xf32>
    %min3A_674 = vector.broadcast %get3A_656 : vector<1x1024xf32> to vector<1024x1024xf32>
    %min3A_675 = vector.broadcast %broadcast_in_dim3A_670 : vector<1024x1xf32> to vector<1024x1024xf32>
    %min3A_676 = arith.minimumf %min3A_674, %min3A_675 : vector<1024x1024xf32>
    %mul3A_677 = arith.mulf %min3A_673, %min3A_676 : vector<1024x1024xf32>
    %le3A_678 = arith.constant 0.006737947 : f32
    %le3A_679 = vector.broadcast %le3A_678 : f32 to vector<1024x1024xf32>
    %le3A_680 = arith.cmpf ole, %mul3A_677, %le3A_679 : vector<1024x1024xf32>
    %add3A_681 = arith.constant 1.000000e+00 : f32
    %add3A_682 = vector.broadcast %add3A_681 : f32 to vector<1024x1024xf32>
    %add3A_683 = arith.addf %add3A_682, %mul3A_677 : vector<1024x1024xf32>
    %log3A_684 = math.log %add3A_683 : vector<1024x1024xf32>
    %select_n3A_685 = arith.select %le3A_680, %mul3A_677, %log3A_684 : vector<1024x1024xi1>, vector<1024x1024xf32>
    %mul3A_686 = arith.mulf %select_n3A_40, %select_n3A_83 : vector<1024x1024xf32>
    %max3A = arith.constant 1.200000e-38 : f32
    %max3A_687 = vector.broadcast %max3A : f32 to vector<1024x1024xf32>
    %max3A_688 = arith.maximumf %mul3A_686, %max3A_687 : vector<1024x1024xf32>
    %log3A_689 = math.log %max3A_688 : vector<1024x1024xf32>
    %mul3A_690 = arith.mulf %select_n3A_126, %select_n3A_169 : vector<1024x1024xf32>
    %max3A_691 = arith.constant 1.200000e-38 : f32
    %max3A_692 = vector.broadcast %max3A_691 : f32 to vector<1024x1024xf32>
    %max3A_693 = arith.maximumf %mul3A_690, %max3A_692 : vector<1024x1024xf32>
    %log3A_694 = math.log %max3A_693 : vector<1024x1024xf32>
    %add3A_695 = arith.addf %log3A_689, %log3A_694 : vector<1024x1024xf32>
    %mul3A_696 = arith.mulf %select_n3A_212, %select_n3A_255 : vector<1024x1024xf32>
    %max3A_697 = arith.constant 1.200000e-38 : f32
    %max3A_698 = vector.broadcast %max3A_697 : f32 to vector<1024x1024xf32>
    %max3A_699 = arith.maximumf %mul3A_696, %max3A_698 : vector<1024x1024xf32>
    %log3A_700 = math.log %max3A_699 : vector<1024x1024xf32>
    %add3A_701 = arith.addf %add3A_695, %log3A_700 : vector<1024x1024xf32>
    %mul3A_702 = arith.mulf %select_n3A_298, %select_n3A_341 : vector<1024x1024xf32>
    %max3A_703 = arith.constant 1.200000e-38 : f32
    %max3A_704 = vector.broadcast %max3A_703 : f32 to vector<1024x1024xf32>
    %max3A_705 = arith.maximumf %mul3A_702, %max3A_704 : vector<1024x1024xf32>
    %log3A_706 = math.log %max3A_705 : vector<1024x1024xf32>
    %add3A_707 = arith.addf %add3A_701, %log3A_706 : vector<1024x1024xf32>
    %mul3A_708 = arith.mulf %select_n3A_384, %select_n3A_427 : vector<1024x1024xf32>
    %max3A_709 = arith.constant 1.200000e-38 : f32
    %max3A_710 = vector.broadcast %max3A_709 : f32 to vector<1024x1024xf32>
    %max3A_711 = arith.maximumf %mul3A_708, %max3A_710 : vector<1024x1024xf32>
    %log3A_712 = math.log %max3A_711 : vector<1024x1024xf32>
    %add3A_713 = arith.addf %add3A_707, %log3A_712 : vector<1024x1024xf32>
    %mul3A_714 = arith.mulf %select_n3A_470, %select_n3A_513 : vector<1024x1024xf32>
    %max3A_715 = arith.constant 1.200000e-38 : f32
    %max3A_716 = vector.broadcast %max3A_715 : f32 to vector<1024x1024xf32>
    %max3A_717 = arith.maximumf %mul3A_714, %max3A_716 : vector<1024x1024xf32>
    %log3A_718 = math.log %max3A_717 : vector<1024x1024xf32>
    %add3A_719 = arith.addf %add3A_713, %log3A_718 : vector<1024x1024xf32>
    %mul3A_720 = arith.mulf %select_n3A_556, %select_n3A_599 : vector<1024x1024xf32>
    %max3A_721 = arith.constant 1.200000e-38 : f32
    %max3A_722 = vector.broadcast %max3A_721 : f32 to vector<1024x1024xf32>
    %max3A_723 = arith.maximumf %mul3A_720, %max3A_722 : vector<1024x1024xf32>
    %log3A_724 = math.log %max3A_723 : vector<1024x1024xf32>
    %add3A_725 = arith.addf %add3A_719, %log3A_724 : vector<1024x1024xf32>
    %mul3A_726 = arith.mulf %select_n3A_642, %select_n3A_685 : vector<1024x1024xf32>
    %max3A_727 = arith.constant 1.200000e-38 : f32
    %max3A_728 = vector.broadcast %max3A_727 : f32 to vector<1024x1024xf32>
    %max3A_729 = arith.maximumf %mul3A_726, %max3A_728 : vector<1024x1024xf32>
    %log3A_730 = math.log %max3A_729 : vector<1024x1024xf32>
    %add3A_731 = arith.addf %add3A_725, %log3A_730 : vector<1024x1024xf32>
    %eq3A_732 = arith.constant 0 : i32
    %eq3A_733 = arith.cmpi eq, %arg0, %eq3A_732 : i32
    %convert_element_type3A_734 = arith.extui %eq3A_733 : i1 to i32
    %cond3A_735 = arith.constant 0 : i32
    %cond3A_736 = arith.cmpi ne, %convert_element_type3A_734, %cond3A_735 : i32
    scf.if %cond3A_736 {
      %swap3A = arith.constant 0 : index
      %swap3A_746 = arith.constant 0 : index
      %swap3A_747 = vector.load %arg8[%swap3A, %swap3A_746] : memref<1024x1024xf32, #tpu.memory_space<vmem>>, vector<1024x1024xf32>
      tpu.vector_store %arg8[%swap3A, %swap3A_746], %add3A_731 {strides = array<i32>} : memref<1024x1024xf32, #tpu.memory_space<vmem>>, vector<1024x1024xf32>,
    } else {
    }
    %ne3A = arith.constant 0 : i32
    %ne3A_737 = arith.cmpi ne, %arg0, %ne3A : i32
    %convert_element_type3A_738 = arith.extui %ne3A_737 : i1 to i32
    %cond3A_739 = arith.constant 0 : i32
    %cond3A_740 = arith.cmpi ne, %convert_element_type3A_738, %cond3A_739 : i32
    scf.if %cond3A_740 {
      %get3A_746 = arith.constant 0 : index
      %get3A_747 = arith.constant 0 : index
      %get3A_748 = vector.load %arg8[%get3A_746, %get3A_747] : memref<1024x1024xf32, #tpu.memory_space<vmem>>, vector<1024x1024xf32>
      %add3A_749 = arith.addf %get3A_748, %add3A_731 : vector<1024x1024xf32>
      %swap3A = arith.constant 0 : index
      %swap3A_750 = arith.constant 0 : index
      %swap3A_751 = vector.load %arg8[%swap3A, %swap3A_750] : memref<1024x1024xf32, #tpu.memory_space<vmem>>, vector<1024x1024xf32>
      tpu.vector_store %arg8[%swap3A, %swap3A_750], %add3A_749 {strides = array<i32>} : memref<1024x1024xf32, #tpu.memory_space<vmem>>, vector<1024x1024xf32>,
    } else {
    }
    %eq3A_741 = arith.constant 1 : i32
    %eq3A_742 = arith.cmpi eq, %arg0, %eq3A_741 : i32
    %convert_element_type3A_743 = arith.extui %eq3A_742 : i1 to i32
    %cond3A_744 = arith.constant 0 : i32
    %cond3A_745 = arith.cmpi ne, %convert_element_type3A_743, %cond3A_744 : i32
    scf.if %cond3A_745 {
      %get3A_746 = arith.constant 0 : index
      %get3A_747 = arith.constant 0 : index
      %get3A_748 = vector.load %arg8[%get3A_746, %get3A_747] : memref<1024x1024xf32, #tpu.memory_space<vmem>>, vector<1024x1024xf32>
      %get3A_749 = arith.constant 0 : index
      %get3A_750 = arith.constant 0 : index
      %get3A_751 = vector.load %arg7[%get3A_749, %get3A_750] : memref<1x1024xf32, #tpu.memory_space<vmem>>, vector<1x1024xf32>
      %add3A_752 = vector.broadcast %get3A_751 : vector<1x1024xf32> to vector<1024x1024xf32>
      %add3A_753 = arith.addf %get3A_748, %add3A_752 : vector<1024x1024xf32>
      %iota3A_754 = tpu.iota {dimensions = array<i32: 1>} : vector<1024x1024xi32>
      %lt3A = arith.constant 1000 : i32
      %lt3A_755 = vector.broadcast %lt3A : i32 to vector<1024x1024xi32>
      %lt3A_756 = arith.cmpi slt, %iota3A_754, %lt3A_755 : vector<1024x1024xi32>
      %jit3A_757 = arith.constant -1.000000e+30 : f32
      %broadcast_in_dim3A_758 = vector.broadcast %jit3A_757 : f32 to vector<1024x1024xf32>
      %select_n3A_759 = arith.select %lt3A_756, %add3A_753, %broadcast_in_dim3A_758 : vector<1024x1024xi1>, vector<1024x1024xf32>
      %reduce_max3A = arith.constant dense<0xFF800000> : vector<1024xf32>
      %reduce_max3A_760 = vector.multi_reduction <maximumf>, %select_n3A_759, %reduce_max3A [1] : vector<1024x1024xf32> to vector<1024xf32>
      %broadcast_in_dim3A_761 = vector.shape_cast %reduce_max3A_760 : vector<1024xf32> to vector<1024x1xf32>
      %sub3A = vector.broadcast %broadcast_in_dim3A_761 : vector<1024x1xf32> to vector<1024x1024xf32>
      %sub3A_762 = arith.subf %select_n3A_759, %sub3A : vector<1024x1024xf32>
      %exp3A = math.exp %sub3A_762 : vector<1024x1024xf32>
      %reduce_sum3A_763 = arith.constant dense<0.000000e+00> : vector<1024xf32>
      %reduce_sum3A_764 = vector.multi_reduction <add>, %exp3A, %reduce_sum3A_763 [1] : vector<1024x1024xf32> to vector<1024xf32>
      %broadcast_in_dim3A_765 = vector.shape_cast %reduce_sum3A_764 : vector<1024xf32> to vector<1024x1xf32>
      %log3A_766 = math.log %broadcast_in_dim3A_765 : vector<1024x1xf32>
      %add3A_767 = arith.addf %log3A_766, %broadcast_in_dim3A_761 : vector<1024x1xf32>
      %sub3A_768 = vector.broadcast %add3A_767 : vector<1024x1xf32> to vector<1024x1024xf32>
      %sub3A_769 = arith.subf %select_n3A_759, %sub3A_768 : vector<1024x1024xf32>
      %swap3A = arith.constant 0 : index
      %swap3A_770 = arith.constant 0 : index
      %swap3A_771 = vector.load %arg8[%swap3A, %swap3A_770] : memref<1024x1024xf32, #tpu.memory_space<vmem>>, vector<1024x1024xf32>
      tpu.vector_store %arg8[%swap3A, %swap3A_770], %sub3A_769 {strides = array<i32>} : memref<1024x1024xf32, #tpu.memory_space<vmem>>, vector<1024x1024xf32>,
    } else {
    }
    return
  }
  func.func @transform_0(%arg0: i32) -> (i32, i32, i32) {
    %c0_i32 = arith.constant 0 : i32
    %c0_i32_0 = arith.constant 0 : i32
    %c0_i32_1 = arith.constant 0 : i32
    %c0_i32_2 = arith.constant 0 : i32
    return %c0_i32, %c0_i32_0, %c0_i32_1 : i32, i32, i32
  }
  func.func @transform_1(%arg0: i32) -> (i32, i32) {
    %c0_i32 = arith.constant 0 : i32
    %c0_i32_0 = arith.constant 0 : i32
    %c0_i32_1 = arith.constant 0 : i32
    return %c0_i32, %c0_i32_0 : i32, i32
  }
  func.func @transform_2(%arg0: i32) -> (i32, i32) {
    %c0_i32 = arith.constant 0 : i32
    %c0_i32_0 = arith.constant 0 : i32
    %c0_i32_1 = arith.constant 0 : i32
    return %c0_i32, %c0_i32_0 : i32, i32
  }
  func.func @transform_3(%arg0: i32) -> (i32, i32) {
    %c0_i32 = arith.constant 0 : i32
    %c0_i32_0 = arith.constant 0 : i32
    %c0_i32_1 = arith.constant 0 : i32
    return %c0_i32, %c0_i32_0 : i32, i32
  }
  func.func @transform_4(%arg0: i32) -> (i32, i32) {
    %c0_i32 = arith.constant 0 : i32
    %c0_i32_0 = arith.constant 0 : i32
    %c0_i32_1 = arith.constant 0 : i32
    return %c0_i32, %c0_i32_0 : i32, i32
  }
  func.func @transform_5(%arg0: i32) -> (i32, i32) {
    %c0_i32 = arith.constant 0 : i32
    %c0_i32_0 = arith.constant 0 : i32
    %c0_i32_1 = arith.constant 0 : i32
    return %c0_i32, %c0_i32_0 : i32, i32
  }
  func.func @transform_6(%arg0: i32) -> (i32, i32) {
    %c0_i32 = arith.constant 0 : i32
    %c0_i32_0 = arith.constant 0 : i32
    %c0_i32_1 = arith.constant 0 : i32
    return %c0_i32, %c0_i32_0 : i32, i32
  }
  func.func @transform_7(%arg0: i32) -> (i32, i32) {
    %c0_i32 = arith.constant 0 : i32
    %c0_i32_0 = arith.constant 0 : i32
    %c0_i32_1 = arith.constant 0 : i32
    return %c0_i32, %c0_i32_0 : i32, i32
  }
}

</mosaic_0001>

<sc_bundles>
// kernel: kernel.4.cloned.1.call-start
scs
__scs_entry_jumppad:
0x0: {  	(pc) =	sbr.rel $0x88, $3  }
0x1: {  	(tag) =	ssettag $0x0;
	lr =	simm.s32 $0x1  }
0x2: {  	[smem:$0x3F9A] =	sst lr;
	_ =	strace $0xD0000000  }
0x3: {  	_ = 	snop  }
0x4: {  	_ = 	snop  }
0x5: {  	_ = 	snop  }
0x6: {  	_ = 	snop  }
0x7: {  	_ = 	snop  }
__scs_overlays_trampoline_lowered:
0x8: {  	[smem:$0x3FA9] =	sst s0  }
0x9: {  	[smem:$0x3FAA] =	sst s1  }
0xa: {  	[smem:$0x3FAB] =	sst s2  }
0xb: {  	[smem:$0x3FAC] =	sst s3  }
0xc: {  	[smem:$0x3FAD] =	sst s4  }
0xd: {  	[smem:$0x3FAE] =	sst s5  }
0xe: {  	[smem:$0x3FAF] =	sst s6  }
0xf: {  	[smem:$0x3FB0] =	sst s7  }
0x10: {  	[smem:$0x3FB1] =	sst s8  }
0x11: {  	[smem:$0x3FB2] =	sst s9;
	s0 =	simm.s32 @!p0 $0x0  }
0x12: {  	s1 =	sld [smem:$0x3F98];
	s0 =	simm.s32 @p0 $0x1  }
0x13: {  	[smem:$0x3FB3] =	sst s0;
	s0 =	simm.s32 @!p1 $0x0  }
0x14: {  	s2 =	sld [smem:$0x3F97];
	s0 =	simm.s32 @p1 $0x1  }
0x15: {  	[smem:$0x3FB4] =	sst s0;
	s0 =	simm.s32 @!p2 $0x0  }
0x16: {  	s3 =	sld [smem:$0x3FDB];
	s0 =	simm.s32 @p2 $0x1  }
0x17: {  	s4 =	simm.s32 $0x1BF5;
	[smem:$0x3FB6] =	sst s0  }
0x18: {  	s0 =	sld [smem:$0x3F99];
	_ =	swait.ge [sflag:s4], $0x0  }
0x19: {  	s7 =	sld [smem:$0x3F9A]  }
0x1a: {  	s8 =	sadd.s32 $0xFFFFE003, lr  }
0x1b: {  	s9 =	sadd.s32 $0xFFFFFEF7, lr;
	s5 =	simm.s32 $0xFFFFFFFF;
	p2 =	slt.u32 s8, $0xFFFFF086  }
0x1c: {  	p1 =	slt.u32 s9, $0xF7A;
	s5 =	simm.s32 @!p2 $0x0  }
0x1d: {  	s5 =	simm.s32 @p1 $0x1;
	p0 =	seq.s32 s7, s2  }
0x1e: {  	s7 =	smul.u32 @!p0 $0xF7A, s2;
	p2 =	seq.s32 @!p0 s5, $0x0  }
0x1f: {  	s9 =	smul.u32 $0xF7A, s1;
	s8 =	simm.s32 @!p0 $0x1BF5;
	p2 =	por !p2, p0  }
0x20: {  	[sflag:s8] =	ssyncset.s32 @!p0 $0xFFFFF086;
	s6 =	sadd.s32 @!p0 s3, s7;
	s7 =	simm.s32 @!p0 $0x108  }
0x21: {  	s3 =	sadd.s32 s3, s9;
	s6 =	sadd.s32 @!p0 $0x88, s6;
	s7 =	simm.s32 @p2 $0x1082  }
0x22: {  	[simem:s7], [sflag:s8] =	dma.local @!p0 [hbm:s6], $0xF7A  }
0x23: {  	s9 =	sor.u32 $0xD0000000, s2;
	s6 =	simm.s32 $0x108;
	_ =	swait.ge @!p0 [sflag:s8], $0x0  }
0x24: {  	s3 =	sadd.s32 $0x88, s3;
	s6 =	simm.s32 @!p1 $0x1082;
	[sflag:s4] =	ssyncset.s32 $0xFFFFF086  }
0x25: {  	[simem:s6], [sflag:s4] =	dma.local [hbm:s3], $0xF7A  }
0x26: {  	[smem:$0x3F9A] =	sst s1;
	(tag) =	ssettag s2;
	_ =	strace s9  }
0x27: {  	s1 =	sld [smem:$0x3FAA]  }
0x28: {  	s2 =	sld [smem:$0x3FAB]  }
0x29: {  	s4 =	sld [smem:$0x3FAD]  }
0x2a: {  	p0 =	seq.s32 s5, $0x0;
	s5 =	sld [smem:$0x3FAE]  }
0x2b: {  	s6 =	sld [smem:$0x3FAF]  }
0x2c: {  	s7 =	sld [smem:$0x3FB0]  }
0x2d: {  	s3 =	simm.s32 $0x108;
	s8 =	sld [smem:$0x3FB1]  }
0x2e: {  	s3 =	simm.s32 @!p0 $0x1082;
	s9 =	sld [smem:$0x3FB2]  }
0x2f: {  	lr =	sadd.s32 s0, s3;
	s0 =	sld [smem:$0x3FA9]  }
0x30: {  	s3 =	sld [smem:$0x3FAC]  }
0x31: {  	[smem:$0x3FB5] =	sst s10  }
0x32: {  	s10 =	sld [smem:$0x3FB3];
	_ =	sdelay $0x3  }
0x33: {  	p0 =	seq.s32 s10, $0x1;
	s10 =	sld [smem:$0x3FB5];
	_ =	sdelay $0x3  }
0x34: {  	[smem:$0x3FB5] =	sst s10  }
0x35: {  	s10 =	sld [smem:$0x3FB4];
	_ =	sdelay $0x3  }
0x36: {  	p1 =	seq.s32 s10, $0x1;
	s10 =	sld [smem:$0x3FB5];
	_ =	sdelay $0x3  }
0x37: {  	[smem:$0x3FB5] =	sst s10  }
0x38: {  	s10 =	sld [smem:$0x3FB6]  }
0x39: {  	_ = 	snop;
	(pc) =	sbr.ind lr, $3  }
0x3a: {  	_ = 	snop  }
0x3b: {  	_ = 	snop  }
0x3c: {  	p2 =	seq.s32 s10, $0x1;
	s10 =	sld [smem:$0x3FB5]  }
0x3d: {  	_ =	shalt  }
0x3e: {  	_ =	shalt  }
0x3f: {  	_ =	shalt  }
0x40: {  	_ =	shalt  }
0x41: {  	_ =	shalt  }
0x42: {  	_ =	shalt  }
0x43: {  	_ =	shalt  }
0x44: {  	_ =	shalt  }
0x45: {  	_ =	shalt  }
0x46: {  	_ =	shalt  }
0x47: {  	_ =	shalt  }
0x48: {  	_ =	shalt  }
0x49: {  	_ =	shalt  }
0x4a: {  	_ =	shalt  }
0x4b: {  	_ =	shalt  }
0x4c: {  	_ =	shalt  }
0x4d: {  	_ =	shalt  }
0x4e: {  	_ =	shalt  }
0x4f: {  	_ =	shalt  }
0x50: {  	_ =	shalt  }
0x51: {  	_ =	shalt  }
0x52: {  	_ =	shalt  }
0x53: {  	_ =	shalt  }
0x54: {  	_ =	shalt  }
0x55: {  	_ =	shalt  }
0x56: {  	_ =	shalt  }
0x57: {  	_ =	shalt  }
0x58: {  	_ =	shalt  }
0x59: {  	_ =	shalt  }
0x5a: {  	_ =	shalt  }
0x5b: {  	_ =	shalt  }
0x5c: {  	_ =	shalt  }
0x5d: {  	_ =	shalt  }
0x5e: {  	_ =	shalt  }
0x5f: {  	_ =	shalt  }
0x60: {  	_ =	shalt  }
0x61: {  	_ =	shalt  }
0x62: {  	_ =	shalt  }
0x63: {  	_ =	shalt  }
0x64: {  	_ =	shalt  }
0x65: {  	_ =	shalt  }
0x66: {  	_ =	shalt  }
0x67: {  	_ =	shalt  }
0x68: {  	_ =	shalt  }
0x69: {  	_ =	shalt  }
0x6a: {  	_ =	shalt  }
0x6b: {  	_ =	shalt  }
0x6c: {  	_ =	shalt  }
0x6d: {  	_ =	shalt  }
0x6e: {  	_ =	shalt  }
0x6f: {  	_ =	shalt  }
0x70: {  	_ =	shalt  }
0x71: {  	_ =	shalt  }
0x72: {  	_ =	shalt  }
0x73: {  	_ =	shalt  }
0x74: {  	_ =	shalt  }
0x75: {  	_ =	shalt  }
0x76: {  	_ =	shalt  }
0x77: {  	_ =	shalt  }
0x78: {  	_ =	shalt  }
0x79: {  	_ =	shalt  }
0x7a: {  	_ =	shalt  }
0x7b: {  	_ =	shalt  }
0x7c: {  	_ =	shalt  }
0x7d: {  	_ =	shalt  }
0x7e: {  	_ =	shalt  }
0x7f: {  	_ =	shalt  }
0x80: {  	_ =	shalt  }
0x81: {  	_ =	shalt  }
0x82: {  	_ =	shalt  }
0x83: {  	_ =	shalt  }
0x84: {  	_ =	shalt  }
0x85: {  	_ =	shalt  }
0x86: {  	_ =	shalt  }
0x87: {  	_ =	shalt  }
.Lfunc_end0:
.L_simem_size_0:
called_computation_lowered:
.L_overlay_start_0:
0x88: {  	s2 =	sld [smem:$0x3FD9]  }
0x89: {  	s3 =	sld [smem:$0x3FFE];
	_ =	sdelay $0x1  }
0x8a: {  	s1 =	srdreg.scid  }
0x8b: {  	s0 =	sand.u32 $0x1, s1  }
0x8c: {  	s17 =	sshll.u32 s0, $0xA;
	s2 =	sadd.s32 s3, s2  }
0x8d: {  	s2 =	sadd.s32 s2, s17  }
0x8e: {  	[smem:$0x3FC1] =	sst s2  }
0x8f: {  	_ = 	snop  }
0x90: {  	s2 =	sld [smem:$0x3FD0];
	(tm) =	ssettm $0x1  }
0x91: {  	s18 =	sld [smem:$0x3FFB];
	_ =	sdelay $0x3  }
0x92: {  	_ =	strace s18  }
0x93: {  	s3 =	sld [smem:$0x3FFC];
	_ =	sdelay $0x3  }
0x94: {  	_ =	strace s3  }
0x95: {  	s3 =	sld [smem:$0x3FFD];
	_ =	sdelay $0x3  }
0x96: {  	_ =	strace s3  }
0x97: {  	_ =	strace $0x8FFFFFFF  }
0x98: {  	s19 =	sld [smem:$0x3FDB];
	_ =	sdelay $0x1  }
0x99: {  	s4 =	simm.s32 $_scs_section_size  }
0x9a: {  	s5 =	simm.s32 $_size__tile_overlayer_lowered;
	s6 =	simm.s32 $_tile_overlayer_lowered  }
0x9b: {  	s22 =	simm.s32 $0x1BFF;
	s21 =	sshll.u32 s6, $0x1;
	s3 =	sadd.s32 s4, s19  }
0x9c: {  	s7 =	simm.s32 $0x0;
	s20 =	sshll.u32 s5, $0x1;
	s5 =	sadd.s32 s21, s3  }
0x9d: {  	[timem:s7], [sflag:s22] =	dma.local [hbm:s5], s20  }
0x9e: {  	_ =	swait.ge [sflag:s22], s20  }
0x9f: {  	s4 =	ssub.s32 $0x0, s20;
	[sflag:s22] =	ssyncset.done $0x0  }
0xa0: {  	[sflag:s22] =	ssyncadd.s32 s4;
	_ =	sdelay $0x1  }
0xa1: {  	s23 =	simm.s32 $0x1B8B  }
0xa2: {  	_ =	swait.ge [sflag:s23], $0x1  }
0xa3: {  	[sflag:s23] =	ssyncset.done $0x0  }
0xa4: {  	s25 =	simm.s32 $0x1B8E;
	s24 =	sld [smem:$0x3FFE];
	[sflag:s23] =	ssyncadd.s32 $0xFFFFFFFF  }
0xa5: {  	s26 =	simm.s32 $execute0_lowered;
	[smem:$0x3FD2] =	sst s25  }
0xa6: {  	s5 =	sshll.u32 s26, $0x1;
	_ =	strace $0x80000046;
	[dreg:$0x1] =	wrdreg $0xFFFFFFFF  }
0xa7: {  	s28 =	simm.s32 $_size_execute0_lowered;
	s3 =	sadd.s32 s3, s5;
	[dreg:$0x0] =	wrdreg $0x0  }
0xa8: {  	s5 =	sshll.u32 s28, $0x1;
	[dreg:$0x2] =	wrdreg s3  }
0xa9: {  	[dreg:$0x3] =	wrdreg s5  }
0xaa: {  	[dreg:$0x4] =	wrdreg $0xC0  }
0xab: {  	_ =	task [dreg:s7], $0x5FFFF  }
0xac: {  	[dreg:$0x1] =	wrdreg $0xFFFFFFFF  }
0xad: {  	[dreg:$0x0] =	wrdreg $0x60  }
0xae: {  	[dreg:$0x2] =	wrdreg s24  }
0xaf: {  	[dreg:$0x3] =	wrdreg s2  }
0xb0: {  	[dreg:$0x4] =	wrdreg $0x9  }
0xb1: {  	_ =	task.clear_ibuf [dreg:s7], $0x5FFFF;
	_ =	strace $0x90000046  }
0xb2: {  	s29 =	simm.s32 $0x9;
	_ =	strace $0x80000048  }
0xb3: {  	_ =	swait.ge [sflag:s29], $0x1  }
0xb4: {  	[sflag:s29] =	ssyncadd.s32 $0xFFFFFFFF  }
0xb5: {  	_ =	strace $0x90000048  }
0xb6: {  	_ =	sfence  }
0xb7: {  	s30 =	sld [smem:$0x0];
	_ =	sdelay $0x2  }
0xb8: {  	s31 =	sshll.u32 s1, $0xD;
	s1 =	sshrl.u32 s1, $0x2  }
0xb9: {  	s3 =	sand.u32 $0x4000, s31;
	s1 =	sadd.s32 s1, s30  }
0xba: {  	s0 =	sor.u32 s3, s0;
	s1 =	sshll.u32 s1, $0x11  }
0xbb: {  	s0 =	sor.u32 s1, s0  }
0xbc: {  	s0 =	sadd.s32 $0x8F2B, s0  }
0xbd: {  	[sflag:s0] =	ssyncadd.remote.s32 $0x1  }
0xbe: {  	_ =	sfence.sel $0xFFFF  }
0xbf: {  	[dreg:$0x0] =	wrdreg $0xFFFFFFFF;
	(pc) =	sbr.abs _section_cstart, $3  }
0xc0: {  	[dreg:$0x1] =	wrdreg $0xFFFFFFFF  }
0xc1: {  	_ =	task.clear_ibuf [dreg:s7], $0x2FFFF;
	_ =	strace $0x9FFFFFFF  }
0xc2: {  	(tm) =	ssettm $0x7FFFFFFF  }
0xc3: {  	_ =	shalt  }
tec
execute0_lowered:
.L_overlay_start_1:
0x0: {  	(tag) =	ssettag $0x1  }
0x1: {  	s1 =	srdreg.scid;
	s0 =	stileid.u32  }
0x2: {  	s13 =	rddreg [dreg:$0x0];
	s12 =	sand.u32 $0x1, s1;
	s28 =	sshll.u32 s0, $0x1  }
0x3: {  	s14 =	rddreg [dreg:$0x1];
	s15 =	sor.u32 s12, s28  }
0x4: {  	s2 =	simm.s32 $0x0;
	s1 =	rddreg [dreg:$0x2];
	s3 =	sshll.u32 s15, $0x4  }
0x5: {  	[smem:$0x7FF] =	sst s2;
	s3 =	sadd.s32 s3, s13  }
0x6: {  	_ =	strace $0x80000047;
	s4 =	sadd.s32 $0x1600, s3;
	s3 =	simm.s32 $0x2  }
0x7: {  	[tilespmem:s2], [sflag:$0x2] =	stream.linear.gather [hbm4b:s4+s2], $0x80, $0x38;
	[tilespmem:$0x5100] =	vst v63  }
0x8: {  	s5 =	sshll.u32 s15, $0x2;
	_ =	swait.ge [sflag:s3], $0x80  }
0x9: {  	s5 =	sadd.s32 s5, s13;
	[sflag:s3] =	ssyncset.done $0x0  }
0xa: {  	s6 =	simm.s32 $0x80;
	s5 =	sadd.s32 $0x1800, s5;
	[sflag:s3] =	ssyncadd.s32 $0xFFFFFF80  }
0xb: {  	[tilespmem:s6], [sflag:$0x2] =	stream.linear.gather [hbm4b:s5+s2], $0x20, $0x38;
	[tilespmem:$0x5100] =	vst v63  }
0xc: {  	_ =	swait.ge [sflag:s3], $0x20  }
0xd: {  	[sflag:s3] =	ssyncset.done $0x0  }
0xe: {  	s8 =	simm.s32 $0x100;
	s7 =	sadd.s32 $0x1A00, s13;
	[sflag:s3] =	ssyncadd.s32 $0xFFFFFFE0  }
0xf: {  	[tilespmem:s8], [sflag:$0x1] =	stream.indirect.gather [hbm4b:s7+s6], $0x80, s2, s6, $0xb8;
	[tilespmem:$0x5100] =	vst v63  }
0x10: {  	s9 =	simm.s32 $0x20;
	s10 =	simm.s32 $0x4100;
	s11 =	simm.s32 $0x1  }
0x11: {  	[tilespmem:s10], [sflag:$0x1] =	stream.indirect.gather [hbm4b:s7+s9], $0x80, s6, s9, $0xb8;
	[tilespmem:$0x5100] =	vst v63  }
0x12: {  	_ =	swait.ge [sflag:s11], $0x4000  }
0x13: {  	[sflag:s11] =	ssyncset.done $0x0  }
0x14: {  	s17 =	ssub.s32 $0x2, s12;
	[sflag:s11] =	ssyncadd.s32 $0xFFFFC000  }
0x15: {  	s30 =	sshrl.u32 s17, $0x1;
	_ =	swait.ge [sflag:s11], $0x1000  }
0x16: {  	s16 =	sshll.u32 s15, $0xB;
	s31 =	ssub.s32 s17, s30;
	[sflag:s11] =	ssyncset.done $0x0  }
0x17: {  	s12 =	sadd.s32 s14, s16;
	s14 =	smax.u32 s31, $0x1;
	[sflag:s11] =	ssyncadd.s32 $0xFFFFF000  }
0x18: {  	[hbm4b:s12+s2] =	stream.linear.scatter [tilespmem:s8], [sflag:$0x2], $0x4000, $0x38;
	[tilespmem:$0x5100] =	vst v63  }
0x19: {  	s29 =	sshll.u32 s15, $0x9;
	p0 =	sne.s32 s14, $0x1;
	_ =	swait.ge [sflag:s3], $0x4000  }
.Ltmp0:
0x1a: {  	s13 =	sadd.s32 s29, s13;
	[sflag:s3] =	ssyncset.done $0x0;
	(pc) =	sbr.rel @!p0 .LBB2_2-.Ltmp0, $4  }
0x1b: {  	s13 =	sadd.s32 $0x11400, s13;
	[sflag:s3] =	ssyncadd.s32 $0xFFFFC000  }
0x1c: {  	[hbm4b:s13+s2] =	stream.linear.scatter [tilespmem:s10], [sflag:$0x2], $0x1000, $0x38;
	[tilespmem:$0x5100] =	vst v63  }
0x1d: {  	_ =	swait.ge [sflag:s3], $0x1000  }
0x1e: {  	s14 =	sadd.s32 $0xFFFFFFFF, s14;
	[sflag:s3] =	ssyncset.done $0x0  }
.LBB2_1:
0x1f: {  	p0 =	sne.s32 s14, $0x1;
	s14 =	sadd.s32 $0xFFFFFFFF, s14;
	[sflag:s3] =	ssyncadd.s32 $0xFFFFF000  }
0x20: {  	[tilespmem:s2], [sflag:$0x2] =	stream.linear.gather [hbm4b:s4+s2], $0x80, $0x38;
	[tilespmem:$0x5100] =	vst v63  }
0x21: {  	_ =	swait.ge [sflag:s3], $0x80  }
0x22: {  	[sflag:s3] =	ssyncset.done $0x0  }
0x23: {  	[sflag:s3] =	ssyncadd.s32 $0xFFFFFF80  }
0x24: {  	[tilespmem:s6], [sflag:$0x2] =	stream.linear.gather [hbm4b:s5+s2], $0x20, $0x38;
	[tilespmem:$0x5100] =	vst v63  }
0x25: {  	_ =	swait.ge [sflag:s3], $0x20  }
0x26: {  	[sflag:s3] =	ssyncset.done $0x0  }
0x27: {  	[sflag:s3] =	ssyncadd.s32 $0xFFFFFFE0  }
0x28: {  	[tilespmem:s8], [sflag:$0x1] =	stream.indirect.gather [hbm4b:s7+s6], $0x80, s2, s6, $0xb8;
	[tilespmem:$0x5100] =	vst v63  }
0x29: {  	_ = 	snop  }
0x2a: {  	[tilespmem:s10], [sflag:$0x1] =	stream.indirect.gather [hbm4b:s7+s9], $0x80, s6, s9, $0xb8;
	[tilespmem:$0x5100] =	vst v63  }
0x2b: {  	_ =	swait.ge [sflag:s11], $0x4000  }
0x2c: {  	[sflag:s11] =	ssyncset.done $0x0  }
0x2d: {  	[sflag:s11] =	ssyncadd.s32 $0xFFFFC000  }
0x2e: {  	_ =	swait.ge [sflag:s11], $0x1000  }
0x2f: {  	[sflag:s11] =	ssyncset.done $0x0  }
0x30: {  	[sflag:s11] =	ssyncadd.s32 $0xFFFFF000  }
0x31: {  	[hbm4b:s12+s2] =	stream.linear.scatter [tilespmem:s8], [sflag:$0x2], $0x4000, $0x38;
	[tilespmem:$0x5100] =	vst v63  }
0x32: {  	_ =	swait.ge [sflag:s3], $0x4000  }
.Ltmp1:
0x33: {  	[sflag:s3] =	ssyncset.done $0x0;
	(pc) =	sbr.rel @p0 .LBB2_1-.Ltmp1, $4  }
0x34: {  	[sflag:s3] =	ssyncadd.s32 $0xFFFFC000  }
0x35: {  	[hbm4b:s13+s2] =	stream.linear.scatter [tilespmem:s10], [sflag:$0x2], $0x1000, $0x38;
	[tilespmem:$0x5100] =	vst v63  }
0x36: {  	_ =	swait.ge [sflag:s3], $0x1000  }
0x37: {  	[sflag:s3] =	ssyncset.done $0x0  }
.LBB2_2:
0x38: {  	[sflag:s3] =	ssyncadd.s32 $0xFFFFF000  }
0x39: {  	_ =	sfence.sel $0x180000  }
0x3a: {  	[bflag:$0x0] =	sbarrier.arrive $0xFFFF  }
0x3b: {  	p0 =	sne.s32 s0, $0x0;
	_ =	strace $0x90000047  }
0x3c: {  	s0 =	sadd.s32 @!p0 $0x100000, s1;
	[bflag:$0x2] =	sbarrier.arrive $0xFFFF  }
0x3d: {  	[sflag:s0] =	ssyncadd.tile.s32 @!p0 $0x1;
	_ =	shalt  }
.Lfunc_end2:
_tile_overlayer_lowered:
.L_overlay_start_2:
0x3e: {  	(tag) =	ssettag $0x2  }
0x3f: {  	s0 =	rddreg [dreg:$0x0];
	s2 =	stileid.u32  }
0x40: {  	s1 =	rddreg [dreg:$0x1];
	p0 =	sne.s32 s2, $0x0  }
0x41: {  	s3 =	rddreg [dreg:$0x2];
	[bflag:$0x3] =	sbarrier.arrive $0xFFFF;
	s2 =	simm.s32 @!p0 $0x1C02  }
0x42: {  	[timem:s3], [sflag:s2] =	dma.local @!p0 [hbm:s0], s1  }
0x43: {  	s0 =	simm.s32 @!p0 $0x2  }
0x44: {  	_ =	swait.ge @!p0 [sflag:s0], s1  }
0x45: {  	s1 =	ssub.s32 @!p0 $0x0, s1;
	[sflag:s0] =	ssyncset.done @!p0 $0x0  }
0x46: {  	[sflag:s0] =	ssyncadd.s32 @!p0 s1  }
0x47: {  	[bflag:$0x3] =	sbarrier.arrive $0xFFFF  }
0x48: {  	_ =	shalt  }

</sc_bundles>
